<compile_context>
chip_gen: v7x
topology: tpu7x:2x2x1
jax: 0.10.2.dev20260603
libtpu: 0.0.44.dev20260713+nightly
codegen_flags: <defaults>
</compile_context>

<pallas_src>
import jax
import jax.numpy as jnp
from jax import lax
from jax.experimental import pallas as pl
from jax.experimental.pallas import tpu as pltpu
from jax.experimental.pallas import tpu_sc as plsc

N = 10000
E = 320000
D = 128
OUT = 2
NC = 2
NS = 16
NW = NC * NS
C = 128
NCHUNK = 80
IB = 8
NBLK = NCHUNK // IB
EPAD = NW * NCHUNK * C - E
AROWS = N + 16
RPS = 624
TAIL = N - RPS * NS
ZC = 104

_MESH = plsc.VectorSubcoreMesh(core_axis_name="c", subcore_axis_name="s",
                               num_cores=NC, num_subcores=NS)


def _zero_rows(buf):
    z16 = jnp.zeros((16,), jnp.float32)

    def zrow(i, carry):
        for j in range(D // 16):
            buf[i, pl.ds(j * 16, 16)] = z16
        return carry
    lax.fori_loop(0, C, zrow, 0)


def _zero_my_slice(sh, buf, s):
    row0 = s * RPS
    for k in range(RPS // ZC):
        pltpu.sync_copy(buf.at[pl.ds(0, ZC)],
                        sh.at[pl.ds(row0 + k * ZC, ZC)])

    @pl.when(s == NS - 1)
    def _():
        pltpu.sync_copy(buf.at[pl.ds(0, TAIL)],
                        sh.at[pl.ds(RPS * NS, TAIL)])


def _writeout_my_slice(sh, out, c, s):
    row0 = s * RPS
    pltpu.sync_copy(sh.at[pl.ds(row0, RPS)], out.at[c, pl.ds(row0, RPS)])

    @pl.when(s == NS - 1)
    def _():
        pltpu.sync_copy(sh.at[pl.ds(RPS * NS, TAIL)],
                        out.at[c, pl.ds(RPS * NS, TAIL)])


def _sc_agg_body(feat, srcr, dstr, agg_out, agg_sh, src_v, dst_v, rows_v):
    c = lax.axis_index("c")
    s = lax.axis_index("s")
    wid = c * NS + s

    _zero_rows(rows_v)
    _zero_my_slice(agg_sh, rows_v, s)
    plsc.subcore_barrier()

    def step(j, carry):
        pltpu.sync_copy(srcr.at[wid, j], src_v)
        pltpu.sync_copy(dstr.at[wid, j], dst_v)
        pltpu.sync_copy(feat.at[src_v], rows_v)
        pltpu.sync_copy(rows_v, agg_sh.at[dst_v], add=True)
        return carry
    lax.fori_loop(0, NCHUNK, step, 0)

    plsc.subcore_barrier()
    _writeout_my_slice(agg_sh, agg_out, c, s)


_sc_agg = pl.kernel(
    _sc_agg_body,
    out_type=jax.ShapeDtypeStruct((NC, N, D), jnp.float32),
    mesh=_MESH,
    scratch_types=(
        pltpu.VMEM_SHARED((AROWS, D), jnp.float32),
        pltpu.VMEM((C,), jnp.int32),
        pltpu.VMEM((C,), jnp.int32),
        pltpu.VMEM((C, D), jnp.float32),
    ))


def _sc_deg_body(dstr, deg_out, deg_sh, dst_v, ones_v):
    c = lax.axis_index("c")
    s = lax.axis_index("s")
    wid = c * NS + s

    _zero_rows(ones_v)
    _zero_my_slice(deg_sh, ones_v, s)

    o16 = jnp.full((16,), 1.0, jnp.float32)

    def frow(i, carry):
        for j in range(D // 16):
            ones_v[i, pl.ds(j * 16, 16)] = o16
        return carry
    lax.fori_loop(0, C, frow, 0)

    plsc.subcore_barrier()

    def step(j, carry):
        pltpu.sync_copy(dstr.at[wid, j], dst_v)
        pltpu.sync_copy(ones_v, deg_sh.at[dst_v], add=True)
        return carry
    lax.fori_loop(0, NCHUNK, step, 0)

    plsc.subcore_barrier()
    _writeout_my_slice(deg_sh, deg_out, c, s)


_sc_deg = pl.kernel(
    _sc_deg_body,
    out_type=jax.ShapeDtypeStruct((NC, N, D), jnp.float32),
    mesh=_MESH,
    scratch_types=(
        pltpu.VMEM_SHARED((AROWS, D), jnp.float32),
        pltpu.VMEM((C,), jnp.int32),
        pltpu.VMEM((C, D), jnp.float32),
    ))


_R = 1000


def _tc_layer1(x, aggp, degp, Ws, Wn, b):
    def body(x_r, agg_r, deg_r, ws_r, wn_r, b_r, o_r):
        agg = agg_r[0] + agg_r[1]
        deg = deg_r[0, :, 0:1] + deg_r[1, :, 0:1]
        mean = agg / jnp.maximum(deg, 1.0)
        h = jnp.dot(x_r[...], ws_r[...], preferred_element_type=jnp.float32)
        h = h + jnp.dot(mean, wn_r[...], preferred_element_type=jnp.float32)
        o_r[...] = jnp.maximum(h + b_r[...], 0.0)

    return pl.pallas_call(
        body,
        grid=(N // _R,),
        in_specs=[
            pl.BlockSpec((_R, D), lambda i: (i, 0)),
            pl.BlockSpec((NC, _R, D), lambda i: (0, i, 0)),
            pl.BlockSpec((NC, _R, D), lambda i: (0, i, 0)),
            pl.BlockSpec((D, D), lambda i: (0, 0)),
            pl.BlockSpec((D, D), lambda i: (0, 0)),
            pl.BlockSpec((1, D), lambda i: (0, 0)),
        ],
        out_specs=pl.BlockSpec((_R, D), lambda i: (i, 0)),
        out_shape=jax.ShapeDtypeStruct((N, D), jnp.float32),
    )(x, aggp, degp, Ws, Wn, b.reshape(1, D))


def _tc_layer2_head(h1, aggp, degp, Ws, Wn, b, Wc1, bc1, Wc2p, bc2p):
    def body(h_r, agg_r, deg_r, ws_r, wn_r, b_r, wc1_r, bc1_r, wc2_r,
             bc2_r, o_r):
        agg = agg_r[0] + agg_r[1]
        deg = deg_r[0, :, 0:1] + deg_r[1, :, 0:1]
        mean = agg / jnp.maximum(deg, 1.0)
        h2 = jnp.dot(h_r[...], ws_r[...], preferred_element_type=jnp.float32)
        h2 = h2 + jnp.dot(mean, wn_r[...], preferred_element_type=jnp.float32)
        h2 = h2 + b_r[...]
        z = jnp.maximum(
            jnp.dot(h2, wc1_r[...], preferred_element_type=jnp.float32)
            + bc1_r[...], 0.0)
        o_r[...] = (jnp.dot(z, wc2_r[...], preferred_element_type=jnp.float32)
                    + bc2_r[...])

    full = lambda i: (0, 0)
    return pl.pallas_call(
        body,
        grid=(N // _R,),
        in_specs=[
            pl.BlockSpec((_R, D), lambda i: (i, 0)),
            pl.BlockSpec((NC, _R, D), lambda i: (0, i, 0)),
            pl.BlockSpec((NC, _R, D), lambda i: (0, i, 0)),
            pl.BlockSpec((D, D), full),
            pl.BlockSpec((D, D), full),
            pl.BlockSpec((1, D), full),
            pl.BlockSpec((D, D), full),
            pl.BlockSpec((1, D), full),
            pl.BlockSpec((D, D), full),
            pl.BlockSpec((1, D), full),
        ],
        out_specs=pl.BlockSpec((_R, D), lambda i: (i, 0)),
        out_shape=jax.ShapeDtypeStruct((N, D), jnp.float32),
    )(h1, aggp, degp, Ws, Wn, b.reshape(1, D), Wc1, bc1.reshape(1, D),
      Wc2p, bc2p)


def kernel(x, edge_index, W_self1, W_neigh1, b1, W_self2, W_neigh2, b2,
           Wc1, bc1, Wc2, bc2):
    pad_src = jnp.full((EPAD,), N, jnp.int32)
    pad_dst_agg = (jnp.arange(EPAD, dtype=jnp.int32) * 7) % N
    pad_dst_deg = N + (jnp.arange(EPAD, dtype=jnp.int32) % 16)
    src = jnp.concatenate([edge_index[0], pad_src]).reshape(NW, NCHUNK, C)
    dst_a = jnp.concatenate([edge_index[1], pad_dst_agg]).reshape(
        NW, NCHUNK, C)
    dst_d = jnp.concatenate([edge_index[1], pad_dst_deg]).reshape(
        NW, NCHUNK, C)
    zrow = jnp.zeros((8, D), jnp.float32)
    xp = jnp.concatenate([x, zrow])

    degp = _sc_deg(dst_d)
    agg1 = _sc_agg(xp, src, dst_a)
    h1 = _tc_layer1(x, agg1, degp, W_self1, W_neigh1, b1)
    agg2 = _sc_agg(jnp.concatenate([h1, zrow]), src, dst_a)
    Wc2p = jnp.zeros((D, D), jnp.float32).at[:, :OUT].set(Wc2)
    bc2p = jnp.zeros((1, D), jnp.float32).at[0, :OUT].set(bc2)
    out = _tc_layer2_head(h1, agg2, degp, W_self2, W_neigh2, b2,
                          Wc1, bc1, Wc2p, bc2p)
    return out[:, :OUT]

# --- scband reference (transcript-rebuilt; emitter-appended) ---
"""Pipeline reference for scband-dynamic-graph-risk-model-27608049778854 (READ-ONLY COPY).

The authoritative reference and input builder live on the scoring server;
editing this copy changes nothing except your own understanding.
"""

import jax, jax.numpy as jnp
import numpy as np

N = 10000
E = 320000
IN_DIM = 128
HID = 128
OUT = 2

def setup_inputs(seed: int = 0) -> dict:
    key = jax.random.key(seed)
    ks = jax.random.split(key, 12)
    x = jax.random.normal(ks[0], (N, IN_DIM), dtype=jnp.float32)
    edge_index = jax.random.randint(ks[1], (2, E), 0, N, dtype=jnp.int64 if jax.config.jax_enable_x64 else jnp.int32).astype(jnp.int32)
    s = 1.0 / np.sqrt(IN_DIM)
    sh = 1.0 / np.sqrt(HID)
    W_self1 = jax.random.uniform(ks[2], (IN_DIM, HID), minval=-s, maxval=s, dtype=jnp.float32)
    W_neigh1 = jax.random.uniform(ks[3], (IN_DIM, HID), minval=-s, maxval=s, dtype=jnp.float32)
    b1 = jnp.zeros((HID,), dtype=jnp.float32)
    W_self2 = jax.random.uniform(ks[4], (HID, HID), minval=-sh, maxval=sh, dtype=jnp.float32)
    W_neigh2 = jax.random.uniform(ks[5], (HID, HID), minval=-sh, maxval=sh, dtype=jnp.float32)
    b2 = jnp.zeros((HID,), dtype=jnp.float32)
    Wc1 = jax.random.uniform(ks[6], (HID, HID), minval=-sh, maxval=sh, dtype=jnp.float32)
    bc1 = jax.random.uniform(ks[7], (HID,), minval=-sh, maxval=sh, dtype=jnp.float32)
    Wc2 = jax.random.uniform(ks[8], (HID, OUT), minval=-sh, maxval=sh, dtype=jnp.float32)
    bc2 = jax.random.uniform(ks[9], (OUT,), minval=-sh, maxval=sh, dtype=jnp.float32)
    return {"x": x, "edge_index": edge_index, "W_self1": W_self1, "W_neigh1": W_neigh1, "b1": b1,
            "W_self2": W_self2, "W_neigh2": W_neigh2, "b2": b2, "Wc1": Wc1, "bc1": bc1, "Wc2": Wc2, "bc2": bc2}

def _sage_mean(x, src, dst, W_self, W_neigh, b):
    # DGL SAGEConv('mean'): h = fc_self(x) + fc_neigh(mean_{u->v} x_u) + bias
    msgs = jnp.take(x, src, axis=0)                       # gather [E, d]
    agg = jax.ops.segment_sum(msgs, dst, num_segments=N)  # scatter-add [N, d]
    deg = jax.ops.segment_sum(jnp.ones((src.shape[0],), dtype=x.dtype), dst, num_segments=N)
    mean = agg / jnp.clip(deg, 1.0)[:, None]              # zero in-degree -> 0 (agg is 0)
    return x @ W_self + mean @ W_neigh + b

def reference(x, edge_index, W_self1, W_neigh1, b1, W_self2, W_neigh2, b2, Wc1, bc1, Wc2, bc2):
    src = edge_index[0]
    dst = edge_index[1]
    h = _sage_mean(x, src, dst, W_self1, W_neigh1, b1)
    h = jax.nn.relu(h)
    h = _sage_mean(h, src, dst, W_self2, W_neigh2, b2)
    out = jax.nn.relu(h @ Wc1 + bc1) @ Wc2 + bc2
    return out

if __name__ == "__main__":
    import jax
    _d = setup_inputs()
    print(jax.jit(kernel)(*tuple(_d.values())))

</pallas_src>

<mosaic_0001>
#map = affine_map<(d0, d1) -> (0, 0)>
#map1 = affine_map<(d0, d1) -> (0, 0, 0)>
module attributes {stable_mosaic.version = 14 : i64} {
  func.func @_sc_agg_body(%arg0: i32, %arg1: i32, %arg2: memref<10008x128xf32, #tpu.memory_space<hbm>>, %arg3: memref<32x80x128xi32, #tpu.memory_space<hbm>>, %arg4: memref<32x80x128xi32, #tpu.memory_space<hbm>>, %arg5: memref<2x10000x128xf32, #tpu.memory_space<hbm>>, %arg6: memref<10016x128xf32, #tpu.memory_space<vmem_shared>>, %arg7: memref<128xi32, #tpu.memory_space<vmem>>, %arg8: memref<128xi32, #tpu.memory_space<vmem>>, %arg9: memref<128x128xf32, #tpu.memory_space<vmem>>) attributes {dimension_semantics = [#tpu.dimension_semantics<core_parallel>, #tpu.dimension_semantics<subcore_parallel>], iteration_bounds = array<i64: 2, 16>, scalar_prefetch = 0 : i64, scratch_operands = 4 : i64, tpu.core_type = #tpu.core_type<sc_vector_subcore>, window_params = [{transform_indices = #map}, {transform_indices = #map1}, {transform_indices = #map1}, {transform_indices = #map1}]} {
    %mul3A = arith.constant 16 : i32
    %mul3A_0 = arith.muli %arg0, %mul3A : i32
    %add3A = arith.addi %mul3A_0, %arg1 : i32
    %broadcast_in_dim3A = arith.constant 0.000000e+00 : f32
    %broadcast_in_dim3A_1 = vector.broadcast %broadcast_in_dim3A : f32 to vector<16xf32>
    %scan3A = arith.constant 0 : i32
    %scan3A_2 = arith.constant 0 : i32
    %scan3A_3 = arith.constant 128 : i32
    %scan3A_4 = arith.addi %scan3A_2, %scan3A_3 : i32
    %scan3A_5 = arith.constant 1 : i32
    scf.for %scan3A_37 = %scan3A_2 to %scan3A_4 step %scan3A_5  : i32 {
      %swap3A = arith.index_cast %scan3A_37 : i32 to index
      %swap3A_38 = arith.constant 0 : index
      %swap3A_39 = tpu.vector_load %arg9[%swap3A, %swap3A_38] {strides = array<i32>} : memref<128x128xf32, #tpu.memory_space<vmem>>, vector<1x16xf32>,
      %swap3A_40 = vector.shape_cast %swap3A_39 : vector<1x16xf32> to vector<16xf32>
      %swap3A_41 = vector.shape_cast %broadcast_in_dim3A_1 : vector<16xf32> to vector<1x16xf32>
      tpu.vector_store %arg9[%swap3A, %swap3A_38], %swap3A_41 {strides = array<i32>} : memref<128x128xf32, #tpu.memory_space<vmem>>, vector<1x16xf32>,
      %swap3A_42 = arith.index_cast %scan3A_37 : i32 to index
      %swap3A_43 = arith.constant 16 : index
      %swap3A_44 = tpu.vector_load %arg9[%swap3A_42, %swap3A_43] {strides = array<i32>} : memref<128x128xf32, #tpu.memory_space<vmem>>, vector<1x16xf32>,
      %swap3A_45 = vector.shape_cast %swap3A_44 : vector<1x16xf32> to vector<16xf32>
      %swap3A_46 = vector.shape_cast %broadcast_in_dim3A_1 : vector<16xf32> to vector<1x16xf32>
      tpu.vector_store %arg9[%swap3A_42, %swap3A_43], %swap3A_46 {strides = array<i32>} : memref<128x128xf32, #tpu.memory_space<vmem>>, vector<1x16xf32>,
      %swap3A_47 = arith.index_cast %scan3A_37 : i32 to index
      %swap3A_48 = arith.constant 32 : index
      %swap3A_49 = tpu.vector_load %arg9[%swap3A_47, %swap3A_48] {strides = array<i32>} : memref<128x128xf32, #tpu.memory_space<vmem>>, vector<1x16xf32>,
      %swap3A_50 = vector.shape_cast %swap3A_49 : vector<1x16xf32> to vector<16xf32>
      %swap3A_51 = vector.shape_cast %broadcast_in_dim3A_1 : vector<16xf32> to vector<1x16xf32>
      tpu.vector_store %arg9[%swap3A_47, %swap3A_48], %swap3A_51 {strides = array<i32>} : memref<128x128xf32, #tpu.memory_space<vmem>>, vector<1x16xf32>,
      %swap3A_52 = arith.index_cast %scan3A_37 : i32 to index
      %swap3A_53 = arith.constant 48 : index
      %swap3A_54 = tpu.vector_load %arg9[%swap3A_52, %swap3A_53] {strides = array<i32>} : memref<128x128xf32, #tpu.memory_space<vmem>>, vector<1x16xf32>,
      %swap3A_55 = vector.shape_cast %swap3A_54 : vector<1x16xf32> to vector<16xf32>
      %swap3A_56 = vector.shape_cast %broadcast_in_dim3A_1 : vector<16xf32> to vector<1x16xf32>
      tpu.vector_store %arg9[%swap3A_52, %swap3A_53], %swap3A_56 {strides = array<i32>} : memref<128x128xf32, #tpu.memory_space<vmem>>, vector<1x16xf32>,
      %swap3A_57 = arith.index_cast %scan3A_37 : i32 to index
      %swap3A_58 = arith.constant 64 : index
      %swap3A_59 = tpu.vector_load %arg9[%swap3A_57, %swap3A_58] {strides = array<i32>} : memref<128x128xf32, #tpu.memory_space<vmem>>, vector<1x16xf32>,
      %swap3A_60 = vector.shape_cast %swap3A_59 : vector<1x16xf32> to vector<16xf32>
      %swap3A_61 = vector.shape_cast %broadcast_in_dim3A_1 : vector<16xf32> to vector<1x16xf32>
      tpu.vector_store %arg9[%swap3A_57, %swap3A_58], %swap3A_61 {strides = array<i32>} : memref<128x128xf32, #tpu.memory_space<vmem>>, vector<1x16xf32>,
      %swap3A_62 = arith.index_cast %scan3A_37 : i32 to index
      %swap3A_63 = arith.constant 80 : index
      %swap3A_64 = tpu.vector_load %arg9[%swap3A_62, %swap3A_63] {strides = array<i32>} : memref<128x128xf32, #tpu.memory_space<vmem>>, vector<1x16xf32>,
      %swap3A_65 = vector.shape_cast %swap3A_64 : vector<1x16xf32> to vector<16xf32>
      %swap3A_66 = vector.shape_cast %broadcast_in_dim3A_1 : vector<16xf32> to vector<1x16xf32>
      tpu.vector_store %arg9[%swap3A_62, %swap3A_63], %swap3A_66 {strides = array<i32>} : memref<128x128xf32, #tpu.memory_space<vmem>>, vector<1x16xf32>,
      %swap3A_67 = arith.index_cast %scan3A_37 : i32 to index
      %swap3A_68 = arith.constant 96 : index
      %swap3A_69 = tpu.vector_load %arg9[%swap3A_67, %swap3A_68] {strides = array<i32>} : memref<128x128xf32, #tpu.memory_space<vmem>>, vector<1x16xf32>,
      %swap3A_70 = vector.shape_cast %swap3A_69 : vector<1x16xf32> to vector<16xf32>
      %swap3A_71 = vector.shape_cast %broadcast_in_dim3A_1 : vector<16xf32> to vector<1x16xf32>
      tpu.vector_store %arg9[%swap3A_67, %swap3A_68], %swap3A_71 {strides = array<i32>} : memref<128x128xf32, #tpu.memory_space<vmem>>, vector<1x16xf32>,
      %swap3A_72 = arith.index_cast %scan3A_37 : i32 to index
      %swap3A_73 = arith.constant 112 : index
      %swap3A_74 = tpu.vector_load %arg9[%swap3A_72, %swap3A_73] {strides = array<i32>} : memref<128x128xf32, #tpu.memory_space<vmem>>, vector<1x16xf32>,
      %swap3A_75 = vector.shape_cast %swap3A_74 : vector<1x16xf32> to vector<16xf32>
      %swap3A_76 = vector.shape_cast %broadcast_in_dim3A_1 : vector<16xf32> to vector<1x16xf32>
      tpu.vector_store %arg9[%swap3A_72, %swap3A_73], %swap3A_76 {strides = array<i32>} : memref<128x128xf32, #tpu.memory_space<vmem>>, vector<1x16xf32>,
    }
    %scan3A_6 = arith.constant 128 : i32
    %mul3A_7 = arith.constant 624 : i32
    %mul3A_8 = arith.muli %arg1, %mul3A_7 : i32
    %add3A_9 = arith.constant 0 : i32
    %add3A_10 = arith.addi %mul3A_8, %add3A_9 : i32
    "tpu.region"() ({
      %run_scoped3A = tpu.sem_alloc : memref<!tpu.dma_semaphore, #tpu.memory_space<semaphore_mem>>
      %dma_start3A = arith.constant 0 : i32
      %dma_start3A_37 = arith.constant 0 : i32
      %dma_start3A_38 = tpu.memref_slice %arg9[%dma_start3A, %dma_start3A_37] : memref<128x128xf32, #tpu.memory_space<vmem>> -> memref<104x128xf32, #tpu.memory_space<vmem>>
      %dma_start3A_39 = arith.constant 0 : i32
      %dma_start3A_40 = tpu.memref_slice %arg6[%add3A_10, %dma_start3A_39] : memref<10016x128xf32, #tpu.memory_space<vmem_shared>> -> memref<104x128xf32, #tpu.memory_space<vmem_shared>>
      %dma_start3A_41 = arith.constant 0 : i32
      %dma_start3A_42 = tpu.memref_slice %arg6[%add3A_10, %dma_start3A_41] : memref<10016x128xf32, #tpu.memory_space<vmem_shared>> -> memref<104x128xf32, #tpu.memory_space<vmem_shared>>
      %dma_start3A_43 = arith.constant 0 : i32
      %dma_start3A_44 = arith.constant 0 : i32
      %dma_start3A_45 = tpu.memref_slice %arg9[%dma_start3A_43, %dma_start3A_44] : memref<128x128xf32, #tpu.memory_space<vmem>> -> memref<104x128xf32, #tpu.memory_space<vmem>>
      tpu.enqueue_dma source(%dma_start3A_45 : memref<104x128xf32, #tpu.memory_space<vmem>>) target(%dma_start3A_42 : memref<104x128xf32, #tpu.memory_space<vmem_shared>>) target_semaphore(%run_scoped3A : memref<!tpu.dma_semaphore, #tpu.memory_space<semaphore_mem>>)
      %dma_wait3A = arith.constant 0 : i32
      %dma_wait3A_46 = arith.constant 0 : i32
      %dma_wait3A_47 = tpu.memref_slice %arg9[%dma_wait3A, %dma_wait3A_46] : memref<128x128xf32, #tpu.memory_space<vmem>> -> memref<104x128xf32, #tpu.memory_space<vmem>>
      %dma_wait3A_48 = arith.constant 0 : i32
      %dma_wait3A_49 = tpu.memref_slice %arg6[%add3A_10, %dma_wait3A_48] : memref<10016x128xf32, #tpu.memory_space<vmem_shared>> -> memref<104x128xf32, #tpu.memory_space<vmem_shared>>
      %dma_wait3A_50 = arith.constant 0 : i32
      %dma_wait3A_51 = tpu.memref_slice %arg6[%add3A_10, %dma_wait3A_50] : memref<10016x128xf32, #tpu.memory_space<vmem_shared>> -> memref<104x128xf32, #tpu.memory_space<vmem_shared>>
      %dma_wait3A_52 = arith.constant 0 : i32
      %dma_wait3A_53 = arith.constant 0 : i32
      %dma_wait3A_54 = tpu.memref_slice %arg9[%dma_wait3A_52, %dma_wait3A_53] : memref<128x128xf32, #tpu.memory_space<vmem>> -> memref<104x128xf32, #tpu.memory_space<vmem>>
      tpu.wait_dma2 semaphore(%run_scoped3A : memref<!tpu.dma_semaphore, #tpu.memory_space<semaphore_mem>>) src(%dma_wait3A_54 : memref<104x128xf32, #tpu.memory_space<vmem>>) dst(%dma_wait3A_51 : memref<104x128xf32, #tpu.memory_space<vmem_shared>>)
      tpu.yield
    }) : () -> ()
    %add3A_11 = arith.constant 104 : i32
    %add3A_12 = arith.addi %mul3A_8, %add3A_11 : i32
    "tpu.region"() ({
      %run_scoped3A = tpu.sem_alloc : memref<!tpu.dma_semaphore, #tpu.memory_space<semaphore_mem>>
      %dma_start3A = arith.constant 0 : i32
      %dma_start3A_37 = arith.constant 0 : i32
      %dma_start3A_38 = tpu.memref_slice %arg9[%dma_start3A, %dma_start3A_37] : memref<128x128xf32, #tpu.memory_space<vmem>> -> memref<104x128xf32, #tpu.memory_space<vmem>>
      %dma_start3A_39 = arith.constant 0 : i32
      %dma_start3A_40 = tpu.memref_slice %arg6[%add3A_12, %dma_start3A_39] : memref<10016x128xf32, #tpu.memory_space<vmem_shared>> -> memref<104x128xf32, #tpu.memory_space<vmem_shared>>
      %dma_start3A_41 = arith.constant 0 : i32
      %dma_start3A_42 = tpu.memref_slice %arg6[%add3A_12, %dma_start3A_41] : memref<10016x128xf32, #tpu.memory_space<vmem_shared>> -> memref<104x128xf32, #tpu.memory_space<vmem_shared>>
      %dma_start3A_43 = arith.constant 0 : i32
      %dma_start3A_44 = arith.constant 0 : i32
      %dma_start3A_45 = tpu.memref_slice %arg9[%dma_start3A_43, %dma_start3A_44] : memref<128x128xf32, #tpu.memory_space<vmem>> -> memref<104x128xf32, #tpu.memory_space<vmem>>
      tpu.enqueue_dma source(%dma_start3A_45 : memref<104x128xf32, #tpu.memory_space<vmem>>) target(%dma_start3A_42 : memref<104x128xf32, #tpu.memory_space<vmem_shared>>) target_semaphore(%run_scoped3A : memref<!tpu.dma_semaphore, #tpu.memory_space<semaphore_mem>>)
      %dma_wait3A = arith.constant 0 : i32
      %dma_wait3A_46 = arith.constant 0 : i32
      %dma_wait3A_47 = tpu.memref_slice %arg9[%dma_wait3A, %dma_wait3A_46] : memref<128x128xf32, #tpu.memory_space<vmem>> -> memref<104x128xf32, #tpu.memory_space<vmem>>
      %dma_wait3A_48 = arith.constant 0 : i32
      %dma_wait3A_49 = tpu.memref_slice %arg6[%add3A_12, %dma_wait3A_48] : memref<10016x128xf32, #tpu.memory_space<vmem_shared>> -> memref<104x128xf32, #tpu.memory_space<vmem_shared>>
      %dma_wait3A_50 = arith.constant 0 : i32
      %dma_wait3A_51 = tpu.memref_slice %arg6[%add3A_12, %dma_wait3A_50] : memref<10016x128xf32, #tpu.memory_space<vmem_shared>> -> memref<104x128xf32, #tpu.memory_space<vmem_shared>>
      %dma_wait3A_52 = arith.constant 0 : i32
      %dma_wait3A_53 = arith.constant 0 : i32
      %dma_wait3A_54 = tpu.memref_slice %arg9[%dma_wait3A_52, %dma_wait3A_53] : memref<128x128xf32, #tpu.memory_space<vmem>> -> memref<104x128xf32, #tpu.memory_space<vmem>>
      tpu.wait_dma2 semaphore(%run_scoped3A : memref<!tpu.dma_semaphore, #tpu.memory_space<semaphore_mem>>) src(%dma_wait3A_54 : memref<104x128xf32, #tpu.memory_space<vmem>>) dst(%dma_wait3A_51 : memref<104x128xf32, #tpu.memory_space<vmem_shared>>)
      tpu.yield
    }) : () -> ()
    %add3A_13 = arith.constant 208 : i32
    %add3A_14 = arith.addi %mul3A_8, %add3A_13 : i32
    "tpu.region"() ({
      %run_scoped3A = tpu.sem_alloc : memref<!tpu.dma_semaphore, #tpu.memory_space<semaphore_mem>>
      %dma_start3A = arith.constant 0 : i32
      %dma_start3A_37 = arith.constant 0 : i32
      %dma_start3A_38 = tpu.memref_slice %arg9[%dma_start3A, %dma_start3A_37] : memref<128x128xf32, #tpu.memory_space<vmem>> -> memref<104x128xf32, #tpu.memory_space<vmem>>
      %dma_start3A_39 = arith.constant 0 : i32
      %dma_start3A_40 = tpu.memref_slice %arg6[%add3A_14, %dma_start3A_39] : memref<10016x128xf32, #tpu.memory_space<vmem_shared>> -> memref<104x128xf32, #tpu.memory_space<vmem_shared>>
      %dma_start3A_41 = arith.constant 0 : i32
      %dma_start3A_42 = tpu.memref_slice %arg6[%add3A_14, %dma_start3A_41] : memref<10016x128xf32, #tpu.memory_space<vmem_shared>> -> memref<104x128xf32, #tpu.memory_space<vmem_shared>>
      %dma_start3A_43 = arith.constant 0 : i32
      %dma_start3A_44 = arith.constant 0 : i32
      %dma_start3A_45 = tpu.memref_slice %arg9[%dma_start3A_43, %dma_start3A_44] : memref<128x128xf32, #tpu.memory_space<vmem>> -> memref<104x128xf32, #tpu.memory_space<vmem>>
      tpu.enqueue_dma source(%dma_start3A_45 : memref<104x128xf32, #tpu.memory_space<vmem>>) target(%dma_start3A_42 : memref<104x128xf32, #tpu.memory_space<vmem_shared>>) target_semaphore(%run_scoped3A : memref<!tpu.dma_semaphore, #tpu.memory_space<semaphore_mem>>)
      %dma_wait3A = arith.constant 0 : i32
      %dma_wait3A_46 = arith.constant 0 : i32
      %dma_wait3A_47 = tpu.memref_slice %arg9[%dma_wait3A, %dma_wait3A_46] : memref<128x128xf32, #tpu.memory_space<vmem>> -> memref<104x128xf32, #tpu.memory_space<vmem>>
      %dma_wait3A_48 = arith.constant 0 : i32
      %dma_wait3A_49 = tpu.memref_slice %arg6[%add3A_14, %dma_wait3A_48] : memref<10016x128xf32, #tpu.memory_space<vmem_shared>> -> memref<104x128xf32, #tpu.memory_space<vmem_shared>>
      %dma_wait3A_50 = arith.constant 0 : i32
      %dma_wait3A_51 = tpu.memref_slice %arg6[%add3A_14, %dma_wait3A_50] : memref<10016x128xf32, #tpu.memory_space<vmem_shared>> -> memref<104x128xf32, #tpu.memory_space<vmem_shared>>
      %dma_wait3A_52 = arith.constant 0 : i32
      %dma_wait3A_53 = arith.constant 0 : i32
      %dma_wait3A_54 = tpu.memref_slice %arg9[%dma_wait3A_52, %dma_wait3A_53] : memref<128x128xf32, #tpu.memory_space<vmem>> -> memref<104x128xf32, #tpu.memory_space<vmem>>
      tpu.wait_dma2 semaphore(%run_scoped3A : memref<!tpu.dma_semaphore, #tpu.memory_space<semaphore_mem>>) src(%dma_wait3A_54 : memref<104x128xf32, #tpu.memory_space<vmem>>) dst(%dma_wait3A_51 : memref<104x128xf32, #tpu.memory_space<vmem_shared>>)
      tpu.yield
    }) : () -> ()
    %add3A_15 = arith.constant 312 : i32
    %add3A_16 = arith.addi %mul3A_8, %add3A_15 : i32
    "tpu.region"() ({
      %run_scoped3A = tpu.sem_alloc : memref<!tpu.dma_semaphore, #tpu.memory_space<semaphore_mem>>
      %dma_start3A = arith.constant 0 : i32
      %dma_start3A_37 = arith.constant 0 : i32
      %dma_start3A_38 = tpu.memref_slice %arg9[%dma_start3A, %dma_start3A_37] : memref<128x128xf32, #tpu.memory_space<vmem>> -> memref<104x128xf32, #tpu.memory_space<vmem>>
      %dma_start3A_39 = arith.constant 0 : i32
      %dma_start3A_40 = tpu.memref_slice %arg6[%add3A_16, %dma_start3A_39] : memref<10016x128xf32, #tpu.memory_space<vmem_shared>> -> memref<104x128xf32, #tpu.memory_space<vmem_shared>>
      %dma_start3A_41 = arith.constant 0 : i32
      %dma_start3A_42 = tpu.memref_slice %arg6[%add3A_16, %dma_start3A_41] : memref<10016x128xf32, #tpu.memory_space<vmem_shared>> -> memref<104x128xf32, #tpu.memory_space<vmem_shared>>
      %dma_start3A_43 = arith.constant 0 : i32
      %dma_start3A_44 = arith.constant 0 : i32
      %dma_start3A_45 = tpu.memref_slice %arg9[%dma_start3A_43, %dma_start3A_44] : memref<128x128xf32, #tpu.memory_space<vmem>> -> memref<104x128xf32, #tpu.memory_space<vmem>>
      tpu.enqueue_dma source(%dma_start3A_45 : memref<104x128xf32, #tpu.memory_space<vmem>>) target(%dma_start3A_42 : memref<104x128xf32, #tpu.memory_space<vmem_shared>>) target_semaphore(%run_scoped3A : memref<!tpu.dma_semaphore, #tpu.memory_space<semaphore_mem>>)
      %dma_wait3A = arith.constant 0 : i32
      %dma_wait3A_46 = arith.constant 0 : i32
      %dma_wait3A_47 = tpu.memref_slice %arg9[%dma_wait3A, %dma_wait3A_46] : memref<128x128xf32, #tpu.memory_space<vmem>> -> memref<104x128xf32, #tpu.memory_space<vmem>>
      %dma_wait3A_48 = arith.constant 0 : i32
      %dma_wait3A_49 = tpu.memref_slice %arg6[%add3A_16, %dma_wait3A_48] : memref<10016x128xf32, #tpu.memory_space<vmem_shared>> -> memref<104x128xf32, #tpu.memory_space<vmem_shared>>
      %dma_wait3A_50 = arith.constant 0 : i32
      %dma_wait3A_51 = tpu.memref_slice %arg6[%add3A_16, %dma_wait3A_50] : memref<10016x128xf32, #tpu.memory_space<vmem_shared>> -> memref<104x128xf32, #tpu.memory_space<vmem_shared>>
      %dma_wait3A_52 = arith.constant 0 : i32
      %dma_wait3A_53 = arith.constant 0 : i32
      %dma_wait3A_54 = tpu.memref_slice %arg9[%dma_wait3A_52, %dma_wait3A_53] : memref<128x128xf32, #tpu.memory_space<vmem>> -> memref<104x128xf32, #tpu.memory_space<vmem>>
      tpu.wait_dma2 semaphore(%run_scoped3A : memref<!tpu.dma_semaphore, #tpu.memory_space<semaphore_mem>>) src(%dma_wait3A_54 : memref<104x128xf32, #tpu.memory_space<vmem>>) dst(%dma_wait3A_51 : memref<104x128xf32, #tpu.memory_space<vmem_shared>>)
      tpu.yield
    }) : () -> ()
    %add3A_17 = arith.constant 416 : i32
    %add3A_18 = arith.addi %mul3A_8, %add3A_17 : i32
    "tpu.region"() ({
      %run_scoped3A = tpu.sem_alloc : memref<!tpu.dma_semaphore, #tpu.memory_space<semaphore_mem>>
      %dma_start3A = arith.constant 0 : i32
      %dma_start3A_37 = arith.constant 0 : i32
      %dma_start3A_38 = tpu.memref_slice %arg9[%dma_start3A, %dma_start3A_37] : memref<128x128xf32, #tpu.memory_space<vmem>> -> memref<104x128xf32, #tpu.memory_space<vmem>>
      %dma_start3A_39 = arith.constant 0 : i32
      %dma_start3A_40 = tpu.memref_slice %arg6[%add3A_18, %dma_start3A_39] : memref<10016x128xf32, #tpu.memory_space<vmem_shared>> -> memref<104x128xf32, #tpu.memory_space<vmem_shared>>
      %dma_start3A_41 = arith.constant 0 : i32
      %dma_start3A_42 = tpu.memref_slice %arg6[%add3A_18, %dma_start3A_41] : memref<10016x128xf32, #tpu.memory_space<vmem_shared>> -> memref<104x128xf32, #tpu.memory_space<vmem_shared>>
      %dma_start3A_43 = arith.constant 0 : i32
      %dma_start3A_44 = arith.constant 0 : i32
      %dma_start3A_45 = tpu.memref_slice %arg9[%dma_start3A_43, %dma_start3A_44] : memref<128x128xf32, #tpu.memory_space<vmem>> -> memref<104x128xf32, #tpu.memory_space<vmem>>
      tpu.enqueue_dma source(%dma_start3A_45 : memref<104x128xf32, #tpu.memory_space<vmem>>) target(%dma_start3A_42 : memref<104x128xf32, #tpu.memory_space<vmem_shared>>) target_semaphore(%run_scoped3A : memref<!tpu.dma_semaphore, #tpu.memory_space<semaphore_mem>>)
      %dma_wait3A = arith.constant 0 : i32
      %dma_wait3A_46 = arith.constant 0 : i32
      %dma_wait3A_47 = tpu.memref_slice %arg9[%dma_wait3A, %dma_wait3A_46] : memref<128x128xf32, #tpu.memory_space<vmem>> -> memref<104x128xf32, #tpu.memory_space<vmem>>
      %dma_wait3A_48 = arith.constant 0 : i32
      %dma_wait3A_49 = tpu.memref_slice %arg6[%add3A_18, %dma_wait3A_48] : memref<10016x128xf32, #tpu.memory_space<vmem_shared>> -> memref<104x128xf32, #tpu.memory_space<vmem_shared>>
      %dma_wait3A_50 = arith.constant 0 : i32
      %dma_wait3A_51 = tpu.memref_slice %arg6[%add3A_18, %dma_wait3A_50] : memref<10016x128xf32, #tpu.memory_space<vmem_shared>> -> memref<104x128xf32, #tpu.memory_space<vmem_shared>>
      %dma_wait3A_52 = arith.constant 0 : i32
      %dma_wait3A_53 = arith.constant 0 : i32
      %dma_wait3A_54 = tpu.memref_slice %arg9[%dma_wait3A_52, %dma_wait3A_53] : memref<128x128xf32, #tpu.memory_space<vmem>> -> memref<104x128xf32, #tpu.memory_space<vmem>>
      tpu.wait_dma2 semaphore(%run_scoped3A : memref<!tpu.dma_semaphore, #tpu.memory_space<semaphore_mem>>) src(%dma_wait3A_54 : memref<104x128xf32, #tpu.memory_space<vmem>>) dst(%dma_wait3A_51 : memref<104x128xf32, #tpu.memory_space<vmem_shared>>)
      tpu.yield
    }) : () -> ()
    %add3A_19 = arith.constant 520 : i32
    %add3A_20 = arith.addi %mul3A_8, %add3A_19 : i32
    "tpu.region"() ({
      %run_scoped3A = tpu.sem_alloc : memref<!tpu.dma_semaphore, #tpu.memory_space<semaphore_mem>>
      %dma_start3A = arith.constant 0 : i32
      %dma_start3A_37 = arith.constant 0 : i32
      %dma_start3A_38 = tpu.memref_slice %arg9[%dma_start3A, %dma_start3A_37] : memref<128x128xf32, #tpu.memory_space<vmem>> -> memref<104x128xf32, #tpu.memory_space<vmem>>
      %dma_start3A_39 = arith.constant 0 : i32
      %dma_start3A_40 = tpu.memref_slice %arg6[%add3A_20, %dma_start3A_39] : memref<10016x128xf32, #tpu.memory_space<vmem_shared>> -> memref<104x128xf32, #tpu.memory_space<vmem_shared>>
      %dma_start3A_41 = arith.constant 0 : i32
      %dma_start3A_42 = tpu.memref_slice %arg6[%add3A_20, %dma_start3A_41] : memref<10016x128xf32, #tpu.memory_space<vmem_shared>> -> memref<104x128xf32, #tpu.memory_space<vmem_shared>>
      %dma_start3A_43 = arith.constant 0 : i32
      %dma_start3A_44 = arith.constant 0 : i32
      %dma_start3A_45 = tpu.memref_slice %arg9[%dma_start3A_43, %dma_start3A_44] : memref<128x128xf32, #tpu.memory_space<vmem>> -> memref<104x128xf32, #tpu.memory_space<vmem>>
      tpu.enqueue_dma source(%dma_start3A_45 : memref<104x128xf32, #tpu.memory_space<vmem>>) target(%dma_start3A_42 : memref<104x128xf32, #tpu.memory_space<vmem_shared>>) target_semaphore(%run_scoped3A : memref<!tpu.dma_semaphore, #tpu.memory_space<semaphore_mem>>)
      %dma_wait3A = arith.constant 0 : i32
      %dma_wait3A_46 = arith.constant 0 : i32
      %dma_wait3A_47 = tpu.memref_slice %arg9[%dma_wait3A, %dma_wait3A_46] : memref<128x128xf32, #tpu.memory_space<vmem>> -> memref<104x128xf32, #tpu.memory_space<vmem>>
      %dma_wait3A_48 = arith.constant 0 : i32
      %dma_wait3A_49 = tpu.memref_slice %arg6[%add3A_20, %dma_wait3A_48] : memref<10016x128xf32, #tpu.memory_space<vmem_shared>> -> memref<104x128xf32, #tpu.memory_space<vmem_shared>>
      %dma_wait3A_50 = arith.constant 0 : i32
      %dma_wait3A_51 = tpu.memref_slice %arg6[%add3A_20, %dma_wait3A_50] : memref<10016x128xf32, #tpu.memory_space<vmem_shared>> -> memref<104x128xf32, #tpu.memory_space<vmem_shared>>
      %dma_wait3A_52 = arith.constant 0 : i32
      %dma_wait3A_53 = arith.constant 0 : i32
      %dma_wait3A_54 = tpu.memref_slice %arg9[%dma_wait3A_52, %dma_wait3A_53] : memref<128x128xf32, #tpu.memory_space<vmem>> -> memref<104x128xf32, #tpu.memory_space<vmem>>
      tpu.wait_dma2 semaphore(%run_scoped3A : memref<!tpu.dma_semaphore, #tpu.memory_space<semaphore_mem>>) src(%dma_wait3A_54 : memref<104x128xf32, #tpu.memory_space<vmem>>) dst(%dma_wait3A_51 : memref<104x128xf32, #tpu.memory_space<vmem_shared>>)
      tpu.yield
    }) : () -> ()
    %eq3A = arith.constant 15 : i32
    %eq3A_21 = arith.cmpi eq, %arg1, %eq3A : i32
    %convert_element_type3A = arith.extui %eq3A_21 : i1 to i32
    %cond3A = arith.constant 0 : i32
    %cond3A_22 = arith.cmpi ne, %convert_element_type3A, %cond3A : i32
    scf.if %cond3A_22 {
      "tpu.region"() ({
        %run_scoped3A = tpu.sem_alloc : memref<!tpu.dma_semaphore, #tpu.memory_space<semaphore_mem>>
        %dma_start3A = arith.constant 0 : i32
        %dma_start3A_37 = arith.constant 0 : i32
        %dma_start3A_38 = tpu.memref_slice %arg9[%dma_start3A, %dma_start3A_37] : memref<128x128xf32, #tpu.memory_space<vmem>> -> memref<16x128xf32, #tpu.memory_space<vmem>>
        %dma_start3A_39 = arith.constant 9984 : i32
        %dma_start3A_40 = arith.constant 0 : i32
        %dma_start3A_41 = tpu.memref_slice %arg6[%dma_start3A_39, %dma_start3A_40] : memref<10016x128xf32, #tpu.memory_space<vmem_shared>> -> memref<16x128xf32, #tpu.memory_space<vmem_shared>>
        %dma_start3A_42 = arith.constant 9984 : i32
        %dma_start3A_43 = arith.constant 0 : i32
        %dma_start3A_44 = tpu.memref_slice %arg6[%dma_start3A_42, %dma_start3A_43] : memref<10016x128xf32, #tpu.memory_space<vmem_shared>> -> memref<16x128xf32, #tpu.memory_space<vmem_shared>>
        %dma_start3A_45 = arith.constant 0 : i32
        %dma_start3A_46 = arith.constant 0 : i32
        %dma_start3A_47 = tpu.memref_slice %arg9[%dma_start3A_45, %dma_start3A_46] : memref<128x128xf32, #tpu.memory_space<vmem>> -> memref<16x128xf32, #tpu.memory_space<vmem>>
        tpu.enqueue_dma source(%dma_start3A_47 : memref<16x128xf32, #tpu.memory_space<vmem>>) target(%dma_start3A_44 : memref<16x128xf32, #tpu.memory_space<vmem_shared>>) target_semaphore(%run_scoped3A : memref<!tpu.dma_semaphore, #tpu.memory_space<semaphore_mem>>)
        %dma_wait3A = arith.constant 0 : i32
        %dma_wait3A_48 = arith.constant 0 : i32
        %dma_wait3A_49 = tpu.memref_slice %arg9[%dma_wait3A, %dma_wait3A_48] : memref<128x128xf32, #tpu.memory_space<vmem>> -> memref<16x128xf32, #tpu.memory_space<vmem>>
        %dma_wait3A_50 = arith.constant 9984 : i32
        %dma_wait3A_51 = arith.constant 0 : i32
        %dma_wait3A_52 = tpu.memref_slice %arg6[%dma_wait3A_50, %dma_wait3A_51] : memref<10016x128xf32, #tpu.memory_space<vmem_shared>> -> memref<16x128xf32, #tpu.memory_space<vmem_shared>>
        %dma_wait3A_53 = arith.constant 9984 : i32
        %dma_wait3A_54 = arith.constant 0 : i32
        %dma_wait3A_55 = tpu.memref_slice %arg6[%dma_wait3A_53, %dma_wait3A_54] : memref<10016x128xf32, #tpu.memory_space<vmem_shared>> -> memref<16x128xf32, #tpu.memory_space<vmem_shared>>
        %dma_wait3A_56 = arith.constant 0 : i32
        %dma_wait3A_57 = arith.constant 0 : i32
        %dma_wait3A_58 = tpu.memref_slice %arg9[%dma_wait3A_56, %dma_wait3A_57] : memref<128x128xf32, #tpu.memory_space<vmem>> -> memref<16x128xf32, #tpu.memory_space<vmem>>
        tpu.wait_dma2 semaphore(%run_scoped3A : memref<!tpu.dma_semaphore, #tpu.memory_space<semaphore_mem>>) src(%dma_wait3A_58 : memref<16x128xf32, #tpu.memory_space<vmem>>) dst(%dma_wait3A_55 : memref<16x128xf32, #tpu.memory_space<vmem_shared>>)
        tpu.yield
      }) : () -> ()
    } else {
    }
    %barrier3A = arith.constant 0 : index
    tpu.barrier barrier_id(%barrier3A)
    %scan3A_23 = arith.constant 0 : i32
    %scan3A_24 = arith.constant 0 : i32
    %scan3A_25 = arith.constant 80 : i32
    %scan3A_26 = arith.addi %scan3A_24, %scan3A_25 : i32
    %scan3A_27 = arith.constant 1 : i32
    scf.for %scan3A_37 = %scan3A_24 to %scan3A_26 step %scan3A_27  : i32 {
      "tpu.region"() ({
        %run_scoped3A = tpu.sem_alloc : memref<!tpu.dma_semaphore, #tpu.memory_space<semaphore_mem>>
        %dma_start3A = arith.constant 0 : i32
        %dma_start3A_38 = tpu.memref_slice %arg3[%add3A, %scan3A_37, %dma_start3A] : memref<32x80x128xi32, #tpu.memory_space<hbm>> -> memref<1x1x128xi32, #tpu.memory_space<hbm>>
        %dma_start3A_39 = tpu.memref_squeeze %dma_start3A_38 : memref<1x1x128xi32, #tpu.memory_space<hbm>> -> memref<128xi32, #tpu.memory_space<hbm>>
        %dma_start3A_40 = arith.constant 0 : i32
        %dma_start3A_41 = tpu.memref_slice %arg3[%add3A, %scan3A_37, %dma_start3A_40] : memref<32x80x128xi32, #tpu.memory_space<hbm>> -> memref<1x1x128xi32, #tpu.memory_space<hbm>>
        %dma_start3A_42 = tpu.memref_squeeze %dma_start3A_41 : memref<1x1x128xi32, #tpu.memory_space<hbm>> -> memref<128xi32, #tpu.memory_space<hbm>>
        tpu.enqueue_dma source(%dma_start3A_42 : memref<128xi32, #tpu.memory_space<hbm>>) target(%arg7 : memref<128xi32, #tpu.memory_space<vmem>>) target_semaphore(%run_scoped3A : memref<!tpu.dma_semaphore, #tpu.memory_space<semaphore_mem>>)
        %dma_wait3A = arith.constant 0 : i32
        %dma_wait3A_43 = tpu.memref_slice %arg3[%add3A, %scan3A_37, %dma_wait3A] : memref<32x80x128xi32, #tpu.memory_space<hbm>> -> memref<1x1x128xi32, #tpu.memory_space<hbm>>
        %dma_wait3A_44 = tpu.memref_squeeze %dma_wait3A_43 : memref<1x1x128xi32, #tpu.memory_space<hbm>> -> memref<128xi32, #tpu.memory_space<hbm>>
        %dma_wait3A_45 = arith.constant 0 : i32
        %dma_wait3A_46 = tpu.memref_slice %arg3[%add3A, %scan3A_37, %dma_wait3A_45] : memref<32x80x128xi32, #tpu.memory_space<hbm>> -> memref<1x1x128xi32, #tpu.memory_space<hbm>>
        %dma_wait3A_47 = tpu.memref_squeeze %dma_wait3A_46 : memref<1x1x128xi32, #tpu.memory_space<hbm>> -> memref<128xi32, #tpu.memory_space<hbm>>
        tpu.wait_dma2 semaphore(%run_scoped3A : memref<!tpu.dma_semaphore, #tpu.memory_space<semaphore_mem>>) src(%dma_wait3A_47 : memref<128xi32, #tpu.memory_space<hbm>>) dst(%arg7 : memref<128xi32, #tpu.memory_space<vmem>>)
        tpu.yield
      }) : () -> ()
      "tpu.region"() ({
        %run_scoped3A = tpu.sem_alloc : memref<!tpu.dma_semaphore, #tpu.memory_space<semaphore_mem>>
        %dma_start3A = arith.constant 0 : i32
        %dma_start3A_38 = tpu.memref_slice %arg4[%add3A, %scan3A_37, %dma_start3A] : memref<32x80x128xi32, #tpu.memory_space<hbm>> -> memref<1x1x128xi32, #tpu.memory_space<hbm>>
        %dma_start3A_39 = tpu.memref_squeeze %dma_start3A_38 : memref<1x1x128xi32, #tpu.memory_space<hbm>> -> memref<128xi32, #tpu.memory_space<hbm>>
        %dma_start3A_40 = arith.constant 0 : i32
        %dma_start3A_41 = tpu.memref_slice %arg4[%add3A, %scan3A_37, %dma_start3A_40] : memref<32x80x128xi32, #tpu.memory_space<hbm>> -> memref<1x1x128xi32, #tpu.memory_space<hbm>>
        %dma_start3A_42 = tpu.memref_squeeze %dma_start3A_41 : memref<1x1x128xi32, #tpu.memory_space<hbm>> -> memref<128xi32, #tpu.memory_space<hbm>>
        tpu.enqueue_dma source(%dma_start3A_42 : memref<128xi32, #tpu.memory_space<hbm>>) target(%arg8 : memref<128xi32, #tpu.memory_space<vmem>>) target_semaphore(%run_scoped3A : memref<!tpu.dma_semaphore, #tpu.memory_space<semaphore_mem>>)
        %dma_wait3A = arith.constant 0 : i32
        %dma_wait3A_43 = tpu.memref_slice %arg4[%add3A, %scan3A_37, %dma_wait3A] : memref<32x80x128xi32, #tpu.memory_space<hbm>> -> memref<1x1x128xi32, #tpu.memory_space<hbm>>
        %dma_wait3A_44 = tpu.memref_squeeze %dma_wait3A_43 : memref<1x1x128xi32, #tpu.memory_space<hbm>> -> memref<128xi32, #tpu.memory_space<hbm>>
        %dma_wait3A_45 = arith.constant 0 : i32
        %dma_wait3A_46 = tpu.memref_slice %arg4[%add3A, %scan3A_37, %dma_wait3A_45] : memref<32x80x128xi32, #tpu.memory_space<hbm>> -> memref<1x1x128xi32, #tpu.memory_space<hbm>>
        %dma_wait3A_47 = tpu.memref_squeeze %dma_wait3A_46 : memref<1x1x128xi32, #tpu.memory_space<hbm>> -> memref<128xi32, #tpu.memory_space<hbm>>
        tpu.wait_dma2 semaphore(%run_scoped3A : memref<!tpu.dma_semaphore, #tpu.memory_space<semaphore_mem>>) src(%dma_wait3A_47 : memref<128xi32, #tpu.memory_space<hbm>>) dst(%arg8 : memref<128xi32, #tpu.memory_space<vmem>>)
        tpu.yield
      }) : () -> ()
      "tpu.region"() ({
        %run_scoped3A = tpu.sem_alloc : memref<!tpu.dma_semaphore, #tpu.memory_space<semaphore_mem>>
        %dma_start3A = arith.constant 0 : i32
        %dma_start3A_38 = arith.constant 0 : i32
        %dma_start3A_39 = tpu.memref_slice %arg2[%dma_start3A, %dma_start3A_38] : memref<10008x128xf32, #tpu.memory_space<hbm>> -> memref<10008x128xf32, #tpu.memory_space<hbm>>
        tpu.enqueue_indirect_dma source(%dma_start3A_39 : memref<10008x128xf32, #tpu.memory_space<hbm>>) target(%arg9 : memref<128x128xf32, #tpu.memory_space<vmem>>) offsets(%arg7 : memref<128xi32, #tpu.memory_space<vmem>>) semaphore(%run_scoped3A : memref<!tpu.dma_semaphore, #tpu.memory_space<semaphore_mem>>)
        %dma_wait3A = arith.constant 0 : i32
        %dma_wait3A_40 = arith.constant 0 : i32
        %dma_wait3A_41 = tpu.memref_slice %arg2[%dma_wait3A, %dma_wait3A_40] : memref<10008x128xf32, #tpu.memory_space<hbm>> -> memref<10008x128xf32, #tpu.memory_space<hbm>>
        tpu.wait_indirect_dma semaphore(%run_scoped3A : memref<!tpu.dma_semaphore, #tpu.memory_space<semaphore_mem>>) src(%dma_wait3A_41 : memref<10008x128xf32, #tpu.memory_space<hbm>>) dst(%arg9 : memref<128x128xf32, #tpu.memory_space<vmem>>)
        tpu.yield
      }) : () -> ()
      "tpu.region"() ({
        %run_scoped3A = tpu.sem_alloc : memref<!tpu.dma_semaphore, #tpu.memory_space<semaphore_mem>>
        %dma_start3A = arith.constant 0 : i32
        %dma_start3A_38 = arith.constant 0 : i32
        %dma_start3A_39 = tpu.memref_slice %arg6[%dma_start3A, %dma_start3A_38] : memref<10016x128xf32, #tpu.memory_space<vmem_shared>> -> memref<10016x128xf32, #tpu.memory_space<vmem_shared>>
        tpu.enqueue_indirect_dma source(%arg9 : memref<128x128xf32, #tpu.memory_space<vmem>>) target(%dma_start3A_39 : memref<10016x128xf32, #tpu.memory_space<vmem_shared>>) offsets(%arg8 : memref<128xi32, #tpu.memory_space<vmem>>) semaphore(%run_scoped3A : memref<!tpu.dma_semaphore, #tpu.memory_space<semaphore_mem>>) {add = true}
        %dma_wait3A = arith.constant 0 : i32
        %dma_wait3A_40 = arith.constant 0 : i32
        %dma_wait3A_41 = tpu.memref_slice %arg6[%dma_wait3A, %dma_wait3A_40] : memref<10016x128xf32, #tpu.memory_space<vmem_shared>> -> memref<10016x128xf32, #tpu.memory_space<vmem_shared>>
        tpu.wait_indirect_dma semaphore(%run_scoped3A : memref<!tpu.dma_semaphore, #tpu.memory_space<semaphore_mem>>) src(%arg9 : memref<128x128xf32, #tpu.memory_space<vmem>>) dst(%dma_wait3A_41 : memref<10016x128xf32, #tpu.memory_space<vmem_shared>>)
        tpu.yield
      }) : () -> ()
    }
    %scan3A_28 = arith.constant 80 : i32
    %barrier3A_29 = arith.constant 0 : index
    tpu.barrier barrier_id(%barrier3A_29)
    %mul3A_30 = arith.constant 624 : i32
    %mul3A_31 = arith.muli %arg1, %mul3A_30 : i32
    "tpu.region"() ({
      %run_scoped3A = tpu.sem_alloc : memref<!tpu.dma_semaphore, #tpu.memory_space<semaphore_mem>>
      %dma_start3A = arith.constant 0 : i32
      %dma_start3A_37 = tpu.memref_slice %arg5[%arg0, %mul3A_31, %dma_start3A] : memref<2x10000x128xf32, #tpu.memory_space<hbm>> -> memref<1x624x128xf32, #tpu.memory_space<hbm>>
      %dma_start3A_38 = tpu.memref_squeeze %dma_start3A_37 : memref<1x624x128xf32, #tpu.memory_space<hbm>> -> memref<624x128xf32, #tpu.memory_space<hbm>>
      %dma_start3A_39 = arith.constant 0 : i32
      %dma_start3A_40 = tpu.memref_slice %arg6[%mul3A_31, %dma_start3A_39] : memref<10016x128xf32, #tpu.memory_space<vmem_shared>> -> memref<624x128xf32, #tpu.memory_space<vmem_shared>>
      tpu.enqueue_dma source(%dma_start3A_40 : memref<624x128xf32, #tpu.memory_space<vmem_shared>>) target(%dma_start3A_38 : memref<624x128xf32, #tpu.memory_space<hbm>>) target_semaphore(%run_scoped3A : memref<!tpu.dma_semaphore, #tpu.memory_space<semaphore_mem>>)
      %dma_wait3A = arith.constant 0 : i32
      %dma_wait3A_41 = tpu.memref_slice %arg5[%arg0, %mul3A_31, %dma_wait3A] : memref<2x10000x128xf32, #tpu.memory_space<hbm>> -> memref<1x624x128xf32, #tpu.memory_space<hbm>>
      %dma_wait3A_42 = tpu.memref_squeeze %dma_wait3A_41 : memref<1x624x128xf32, #tpu.memory_space<hbm>> -> memref<624x128xf32, #tpu.memory_space<hbm>>
      %dma_wait3A_43 = arith.constant 0 : i32
      %dma_wait3A_44 = tpu.memref_slice %arg6[%mul3A_31, %dma_wait3A_43] : memref<10016x128xf32, #tpu.memory_space<vmem_shared>> -> memref<624x128xf32, #tpu.memory_space<vmem_shared>>
      tpu.wait_dma2 semaphore(%run_scoped3A : memref<!tpu.dma_semaphore, #tpu.memory_space<semaphore_mem>>) src(%dma_wait3A_44 : memref<624x128xf32, #tpu.memory_space<vmem_shared>>) dst(%dma_wait3A_42 : memref<624x128xf32, #tpu.memory_space<hbm>>)
      tpu.yield
    }) : () -> ()
    %eq3A_32 = arith.constant 15 : i32
    %eq3A_33 = arith.cmpi eq, %arg1, %eq3A_32 : i32
    %convert_element_type3A_34 = arith.extui %eq3A_33 : i1 to i32
    %cond3A_35 = arith.constant 0 : i32
    %cond3A_36 = arith.cmpi ne, %convert_element_type3A_34, %cond3A_35 : i32
    scf.if %cond3A_36 {
      "tpu.region"() ({
        %run_scoped3A = tpu.sem_alloc : memref<!tpu.dma_semaphore, #tpu.memory_space<semaphore_mem>>
        %dma_start3A = arith.constant 9984 : i32
        %dma_start3A_37 = arith.constant 0 : i32
        %dma_start3A_38 = tpu.memref_slice %arg5[%arg0, %dma_start3A, %dma_start3A_37] : memref<2x10000x128xf32, #tpu.memory_space<hbm>> -> memref<1x16x128xf32, #tpu.memory_space<hbm>>
        %dma_start3A_39 = tpu.memref_squeeze %dma_start3A_38 : memref<1x16x128xf32, #tpu.memory_space<hbm>> -> memref<16x128xf32, #tpu.memory_space<hbm>>
        %dma_start3A_40 = arith.constant 9984 : i32
        %dma_start3A_41 = arith.constant 0 : i32
        %dma_start3A_42 = tpu.memref_slice %arg6[%dma_start3A_40, %dma_start3A_41] : memref<10016x128xf32, #tpu.memory_space<vmem_shared>> -> memref<16x128xf32, #tpu.memory_space<vmem_shared>>
        tpu.enqueue_dma source(%dma_start3A_42 : memref<16x128xf32, #tpu.memory_space<vmem_shared>>) target(%dma_start3A_39 : memref<16x128xf32, #tpu.memory_space<hbm>>) target_semaphore(%run_scoped3A : memref<!tpu.dma_semaphore, #tpu.memory_space<semaphore_mem>>)
        %dma_wait3A = arith.constant 9984 : i32
        %dma_wait3A_43 = arith.constant 0 : i32
        %dma_wait3A_44 = tpu.memref_slice %arg5[%arg0, %dma_wait3A, %dma_wait3A_43] : memref<2x10000x128xf32, #tpu.memory_space<hbm>> -> memref<1x16x128xf32, #tpu.memory_space<hbm>>
        %dma_wait3A_45 = tpu.memref_squeeze %dma_wait3A_44 : memref<1x16x128xf32, #tpu.memory_space<hbm>> -> memref<16x128xf32, #tpu.memory_space<hbm>>
        %dma_wait3A_46 = arith.constant 9984 : i32
        %dma_wait3A_47 = arith.constant 0 : i32
        %dma_wait3A_48 = tpu.memref_slice %arg6[%dma_wait3A_46, %dma_wait3A_47] : memref<10016x128xf32, #tpu.memory_space<vmem_shared>> -> memref<16x128xf32, #tpu.memory_space<vmem_shared>>
        tpu.wait_dma2 semaphore(%run_scoped3A : memref<!tpu.dma_semaphore, #tpu.memory_space<semaphore_mem>>) src(%dma_wait3A_48 : memref<16x128xf32, #tpu.memory_space<vmem_shared>>) dst(%dma_wait3A_45 : memref<16x128xf32, #tpu.memory_space<hbm>>)
        tpu.yield
      }) : () -> ()
    } else {
    }
    return
  }
}

#map = affine_map<(d0, d1) -> (0, 0, 0)>
module attributes {stable_mosaic.version = 14 : i64} {
  func.func @_sc_deg_body(%arg0: i32, %arg1: i32, %arg2: memref<32x80x128xi32, #tpu.memory_space<hbm>>, %arg3: memref<2x10000x128xf32, #tpu.memory_space<hbm>>, %arg4: memref<10016x128xf32, #tpu.memory_space<vmem_shared>>, %arg5: memref<128xi32, #tpu.memory_space<vmem>>, %arg6: memref<128x128xf32, #tpu.memory_space<vmem>>) attributes {dimension_semantics = [#tpu.dimension_semantics<core_parallel>, #tpu.dimension_semantics<subcore_parallel>], iteration_bounds = array<i64: 2, 16>, scalar_prefetch = 0 : i64, scratch_operands = 3 : i64, tpu.core_type = #tpu.core_type<sc_vector_subcore>, window_params = [{transform_indices = #map}, {transform_indices = #map}]} {
    %mul3A = arith.constant 16 : i32
    %mul3A_0 = arith.muli %arg0, %mul3A : i32
    %add3A = arith.addi %mul3A_0, %arg1 : i32
    %broadcast_in_dim3A = arith.constant 0.000000e+00 : f32
    %broadcast_in_dim3A_1 = vector.broadcast %broadcast_in_dim3A : f32 to vector<16xf32>
    %scan3A = arith.constant 0 : i32
    %scan3A_2 = arith.constant 0 : i32
    %scan3A_3 = arith.constant 128 : i32
    %scan3A_4 = arith.addi %scan3A_2, %scan3A_3 : i32
    %scan3A_5 = arith.constant 1 : i32
    scf.for %scan3A_45 = %scan3A_2 to %scan3A_4 step %scan3A_5  : i32 {
      %swap3A = arith.index_cast %scan3A_45 : i32 to index
      %swap3A_46 = arith.constant 0 : index
      %swap3A_47 = tpu.vector_load %arg6[%swap3A, %swap3A_46] {strides = array<i32>} : memref<128x128xf32, #tpu.memory_space<vmem>>, vector<1x16xf32>,
      %swap3A_48 = vector.shape_cast %swap3A_47 : vector<1x16xf32> to vector<16xf32>
      %swap3A_49 = vector.shape_cast %broadcast_in_dim3A_1 : vector<16xf32> to vector<1x16xf32>
      tpu.vector_store %arg6[%swap3A, %swap3A_46], %swap3A_49 {strides = array<i32>} : memref<128x128xf32, #tpu.memory_space<vmem>>, vector<1x16xf32>,
      %swap3A_50 = arith.index_cast %scan3A_45 : i32 to index
      %swap3A_51 = arith.constant 16 : index
      %swap3A_52 = tpu.vector_load %arg6[%swap3A_50, %swap3A_51] {strides = array<i32>} : memref<128x128xf32, #tpu.memory_space<vmem>>, vector<1x16xf32>,
      %swap3A_53 = vector.shape_cast %swap3A_52 : vector<1x16xf32> to vector<16xf32>
      %swap3A_54 = vector.shape_cast %broadcast_in_dim3A_1 : vector<16xf32> to vector<1x16xf32>
      tpu.vector_store %arg6[%swap3A_50, %swap3A_51], %swap3A_54 {strides = array<i32>} : memref<128x128xf32, #tpu.memory_space<vmem>>, vector<1x16xf32>,
      %swap3A_55 = arith.index_cast %scan3A_45 : i32 to index
      %swap3A_56 = arith.constant 32 : index
      %swap3A_57 = tpu.vector_load %arg6[%swap3A_55, %swap3A_56] {strides = array<i32>} : memref<128x128xf32, #tpu.memory_space<vmem>>, vector<1x16xf32>,
      %swap3A_58 = vector.shape_cast %swap3A_57 : vector<1x16xf32> to vector<16xf32>
      %swap3A_59 = vector.shape_cast %broadcast_in_dim3A_1 : vector<16xf32> to vector<1x16xf32>
      tpu.vector_store %arg6[%swap3A_55, %swap3A_56], %swap3A_59 {strides = array<i32>} : memref<128x128xf32, #tpu.memory_space<vmem>>, vector<1x16xf32>,
      %swap3A_60 = arith.index_cast %scan3A_45 : i32 to index
      %swap3A_61 = arith.constant 48 : index
      %swap3A_62 = tpu.vector_load %arg6[%swap3A_60, %swap3A_61] {strides = array<i32>} : memref<128x128xf32, #tpu.memory_space<vmem>>, vector<1x16xf32>,
      %swap3A_63 = vector.shape_cast %swap3A_62 : vector<1x16xf32> to vector<16xf32>
      %swap3A_64 = vector.shape_cast %broadcast_in_dim3A_1 : vector<16xf32> to vector<1x16xf32>
      tpu.vector_store %arg6[%swap3A_60, %swap3A_61], %swap3A_64 {strides = array<i32>} : memref<128x128xf32, #tpu.memory_space<vmem>>, vector<1x16xf32>,
      %swap3A_65 = arith.index_cast %scan3A_45 : i32 to index
      %swap3A_66 = arith.constant 64 : index
      %swap3A_67 = tpu.vector_load %arg6[%swap3A_65, %swap3A_66] {strides = array<i32>} : memref<128x128xf32, #tpu.memory_space<vmem>>, vector<1x16xf32>,
      %swap3A_68 = vector.shape_cast %swap3A_67 : vector<1x16xf32> to vector<16xf32>
      %swap3A_69 = vector.shape_cast %broadcast_in_dim3A_1 : vector<16xf32> to vector<1x16xf32>
      tpu.vector_store %arg6[%swap3A_65, %swap3A_66], %swap3A_69 {strides = array<i32>} : memref<128x128xf32, #tpu.memory_space<vmem>>, vector<1x16xf32>,
      %swap3A_70 = arith.index_cast %scan3A_45 : i32 to index
      %swap3A_71 = arith.constant 80 : index
      %swap3A_72 = tpu.vector_load %arg6[%swap3A_70, %swap3A_71] {strides = array<i32>} : memref<128x128xf32, #tpu.memory_space<vmem>>, vector<1x16xf32>,
      %swap3A_73 = vector.shape_cast %swap3A_72 : vector<1x16xf32> to vector<16xf32>
      %swap3A_74 = vector.shape_cast %broadcast_in_dim3A_1 : vector<16xf32> to vector<1x16xf32>
      tpu.vector_store %arg6[%swap3A_70, %swap3A_71], %swap3A_74 {strides = array<i32>} : memref<128x128xf32, #tpu.memory_space<vmem>>, vector<1x16xf32>,
      %swap3A_75 = arith.index_cast %scan3A_45 : i32 to index
      %swap3A_76 = arith.constant 96 : index
      %swap3A_77 = tpu.vector_load %arg6[%swap3A_75, %swap3A_76] {strides = array<i32>} : memref<128x128xf32, #tpu.memory_space<vmem>>, vector<1x16xf32>,
      %swap3A_78 = vector.shape_cast %swap3A_77 : vector<1x16xf32> to vector<16xf32>
      %swap3A_79 = vector.shape_cast %broadcast_in_dim3A_1 : vector<16xf32> to vector<1x16xf32>
      tpu.vector_store %arg6[%swap3A_75, %swap3A_76], %swap3A_79 {strides = array<i32>} : memref<128x128xf32, #tpu.memory_space<vmem>>, vector<1x16xf32>,
      %swap3A_80 = arith.index_cast %scan3A_45 : i32 to index
      %swap3A_81 = arith.constant 112 : index
      %swap3A_82 = tpu.vector_load %arg6[%swap3A_80, %swap3A_81] {strides = array<i32>} : memref<128x128xf32, #tpu.memory_space<vmem>>, vector<1x16xf32>,
      %swap3A_83 = vector.shape_cast %swap3A_82 : vector<1x16xf32> to vector<16xf32>
      %swap3A_84 = vector.shape_cast %broadcast_in_dim3A_1 : vector<16xf32> to vector<1x16xf32>
      tpu.vector_store %arg6[%swap3A_80, %swap3A_81], %swap3A_84 {strides = array<i32>} : memref<128x128xf32, #tpu.memory_space<vmem>>, vector<1x16xf32>,
    }
    %scan3A_6 = arith.constant 128 : i32
    %mul3A_7 = arith.constant 624 : i32
    %mul3A_8 = arith.muli %arg1, %mul3A_7 : i32
    %add3A_9 = arith.constant 0 : i32
    %add3A_10 = arith.addi %mul3A_8, %add3A_9 : i32
    "tpu.region"() ({
      %run_scoped3A = tpu.sem_alloc : memref<!tpu.dma_semaphore, #tpu.memory_space<semaphore_mem>>
      %dma_start3A = arith.constant 0 : i32
      %dma_start3A_45 = arith.constant 0 : i32
      %dma_start3A_46 = tpu.memref_slice %arg6[%dma_start3A, %dma_start3A_45] : memref<128x128xf32, #tpu.memory_space<vmem>> -> memref<104x128xf32, #tpu.memory_space<vmem>>
      %dma_start3A_47 = arith.constant 0 : i32
      %dma_start3A_48 = tpu.memref_slice %arg4[%add3A_10, %dma_start3A_47] : memref<10016x128xf32, #tpu.memory_space<vmem_shared>> -> memref<104x128xf32, #tpu.memory_space<vmem_shared>>
      %dma_start3A_49 = arith.constant 0 : i32
      %dma_start3A_50 = tpu.memref_slice %arg4[%add3A_10, %dma_start3A_49] : memref<10016x128xf32, #tpu.memory_space<vmem_shared>> -> memref<104x128xf32, #tpu.memory_space<vmem_shared>>
      %dma_start3A_51 = arith.constant 0 : i32
      %dma_start3A_52 = arith.constant 0 : i32
      %dma_start3A_53 = tpu.memref_slice %arg6[%dma_start3A_51, %dma_start3A_52] : memref<128x128xf32, #tpu.memory_space<vmem>> -> memref<104x128xf32, #tpu.memory_space<vmem>>
      tpu.enqueue_dma source(%dma_start3A_53 : memref<104x128xf32, #tpu.memory_space<vmem>>) target(%dma_start3A_50 : memref<104x128xf32, #tpu.memory_space<vmem_shared>>) target_semaphore(%run_scoped3A : memref<!tpu.dma_semaphore, #tpu.memory_space<semaphore_mem>>)
      %dma_wait3A = arith.constant 0 : i32
      %dma_wait3A_54 = arith.constant 0 : i32
      %dma_wait3A_55 = tpu.memref_slice %arg6[%dma_wait3A, %dma_wait3A_54] : memref<128x128xf32, #tpu.memory_space<vmem>> -> memref<104x128xf32, #tpu.memory_space<vmem>>
      %dma_wait3A_56 = arith.constant 0 : i32
      %dma_wait3A_57 = tpu.memref_slice %arg4[%add3A_10, %dma_wait3A_56] : memref<10016x128xf32, #tpu.memory_space<vmem_shared>> -> memref<104x128xf32, #tpu.memory_space<vmem_shared>>
      %dma_wait3A_58 = arith.constant 0 : i32
      %dma_wait3A_59 = tpu.memref_slice %arg4[%add3A_10, %dma_wait3A_58] : memref<10016x128xf32, #tpu.memory_space<vmem_shared>> -> memref<104x128xf32, #tpu.memory_space<vmem_shared>>
      %dma_wait3A_60 = arith.constant 0 : i32
      %dma_wait3A_61 = arith.constant 0 : i32
      %dma_wait3A_62 = tpu.memref_slice %arg6[%dma_wait3A_60, %dma_wait3A_61] : memref<128x128xf32, #tpu.memory_space<vmem>> -> memref<104x128xf32, #tpu.memory_space<vmem>>
      tpu.wait_dma2 semaphore(%run_scoped3A : memref<!tpu.dma_semaphore, #tpu.memory_space<semaphore_mem>>) src(%dma_wait3A_62 : memref<104x128xf32, #tpu.memory_space<vmem>>) dst(%dma_wait3A_59 : memref<104x128xf32, #tpu.memory_space<vmem_shared>>)
      tpu.yield
    }) : () -> ()
    %add3A_11 = arith.constant 104 : i32
    %add3A_12 = arith.addi %mul3A_8, %add3A_11 : i32
    "tpu.region"() ({
      %run_scoped3A = tpu.sem_alloc : memref<!tpu.dma_semaphore, #tpu.memory_space<semaphore_mem>>
      %dma_start3A = arith.constant 0 : i32
      %dma_start3A_45 = arith.constant 0 : i32
      %dma_start3A_46 = tpu.memref_slice %arg6[%dma_start3A, %dma_start3A_45] : memref<128x128xf32, #tpu.memory_space<vmem>> -> memref<104x128xf32, #tpu.memory_space<vmem>>
      %dma_start3A_47 = arith.constant 0 : i32
      %dma_start3A_48 = tpu.memref_slice %arg4[%add3A_12, %dma_start3A_47] : memref<10016x128xf32, #tpu.memory_space<vmem_shared>> -> memref<104x128xf32, #tpu.memory_space<vmem_shared>>
      %dma_start3A_49 = arith.constant 0 : i32
      %dma_start3A_50 = tpu.memref_slice %arg4[%add3A_12, %dma_start3A_49] : memref<10016x128xf32, #tpu.memory_space<vmem_shared>> -> memref<104x128xf32, #tpu.memory_space<vmem_shared>>
      %dma_start3A_51 = arith.constant 0 : i32
      %dma_start3A_52 = arith.constant 0 : i32
      %dma_start3A_53 = tpu.memref_slice %arg6[%dma_start3A_51, %dma_start3A_52] : memref<128x128xf32, #tpu.memory_space<vmem>> -> memref<104x128xf32, #tpu.memory_space<vmem>>
      tpu.enqueue_dma source(%dma_start3A_53 : memref<104x128xf32, #tpu.memory_space<vmem>>) target(%dma_start3A_50 : memref<104x128xf32, #tpu.memory_space<vmem_shared>>) target_semaphore(%run_scoped3A : memref<!tpu.dma_semaphore, #tpu.memory_space<semaphore_mem>>)
      %dma_wait3A = arith.constant 0 : i32
      %dma_wait3A_54 = arith.constant 0 : i32
      %dma_wait3A_55 = tpu.memref_slice %arg6[%dma_wait3A, %dma_wait3A_54] : memref<128x128xf32, #tpu.memory_space<vmem>> -> memref<104x128xf32, #tpu.memory_space<vmem>>
      %dma_wait3A_56 = arith.constant 0 : i32
      %dma_wait3A_57 = tpu.memref_slice %arg4[%add3A_12, %dma_wait3A_56] : memref<10016x128xf32, #tpu.memory_space<vmem_shared>> -> memref<104x128xf32, #tpu.memory_space<vmem_shared>>
      %dma_wait3A_58 = arith.constant 0 : i32
      %dma_wait3A_59 = tpu.memref_slice %arg4[%add3A_12, %dma_wait3A_58] : memref<10016x128xf32, #tpu.memory_space<vmem_shared>> -> memref<104x128xf32, #tpu.memory_space<vmem_shared>>
      %dma_wait3A_60 = arith.constant 0 : i32
      %dma_wait3A_61 = arith.constant 0 : i32
      %dma_wait3A_62 = tpu.memref_slice %arg6[%dma_wait3A_60, %dma_wait3A_61] : memref<128x128xf32, #tpu.memory_space<vmem>> -> memref<104x128xf32, #tpu.memory_space<vmem>>
      tpu.wait_dma2 semaphore(%run_scoped3A : memref<!tpu.dma_semaphore, #tpu.memory_space<semaphore_mem>>) src(%dma_wait3A_62 : memref<104x128xf32, #tpu.memory_space<vmem>>) dst(%dma_wait3A_59 : memref<104x128xf32, #tpu.memory_space<vmem_shared>>)
      tpu.yield
    }) : () -> ()
    %add3A_13 = arith.constant 208 : i32
    %add3A_14 = arith.addi %mul3A_8, %add3A_13 : i32
    "tpu.region"() ({
      %run_scoped3A = tpu.sem_alloc : memref<!tpu.dma_semaphore, #tpu.memory_space<semaphore_mem>>
      %dma_start3A = arith.constant 0 : i32
      %dma_start3A_45 = arith.constant 0 : i32
      %dma_start3A_46 = tpu.memref_slice %arg6[%dma_start3A, %dma_start3A_45] : memref<128x128xf32, #tpu.memory_space<vmem>> -> memref<104x128xf32, #tpu.memory_space<vmem>>
      %dma_start3A_47 = arith.constant 0 : i32
      %dma_start3A_48 = tpu.memref_slice %arg4[%add3A_14, %dma_start3A_47] : memref<10016x128xf32, #tpu.memory_space<vmem_shared>> -> memref<104x128xf32, #tpu.memory_space<vmem_shared>>
      %dma_start3A_49 = arith.constant 0 : i32
      %dma_start3A_50 = tpu.memref_slice %arg4[%add3A_14, %dma_start3A_49] : memref<10016x128xf32, #tpu.memory_space<vmem_shared>> -> memref<104x128xf32, #tpu.memory_space<vmem_shared>>
      %dma_start3A_51 = arith.constant 0 : i32
      %dma_start3A_52 = arith.constant 0 : i32
      %dma_start3A_53 = tpu.memref_slice %arg6[%dma_start3A_51, %dma_start3A_52] : memref<128x128xf32, #tpu.memory_space<vmem>> -> memref<104x128xf32, #tpu.memory_space<vmem>>
      tpu.enqueue_dma source(%dma_start3A_53 : memref<104x128xf32, #tpu.memory_space<vmem>>) target(%dma_start3A_50 : memref<104x128xf32, #tpu.memory_space<vmem_shared>>) target_semaphore(%run_scoped3A : memref<!tpu.dma_semaphore, #tpu.memory_space<semaphore_mem>>)
      %dma_wait3A = arith.constant 0 : i32
      %dma_wait3A_54 = arith.constant 0 : i32
      %dma_wait3A_55 = tpu.memref_slice %arg6[%dma_wait3A, %dma_wait3A_54] : memref<128x128xf32, #tpu.memory_space<vmem>> -> memref<104x128xf32, #tpu.memory_space<vmem>>
      %dma_wait3A_56 = arith.constant 0 : i32
      %dma_wait3A_57 = tpu.memref_slice %arg4[%add3A_14, %dma_wait3A_56] : memref<10016x128xf32, #tpu.memory_space<vmem_shared>> -> memref<104x128xf32, #tpu.memory_space<vmem_shared>>
      %dma_wait3A_58 = arith.constant 0 : i32
      %dma_wait3A_59 = tpu.memref_slice %arg4[%add3A_14, %dma_wait3A_58] : memref<10016x128xf32, #tpu.memory_space<vmem_shared>> -> memref<104x128xf32, #tpu.memory_space<vmem_shared>>
      %dma_wait3A_60 = arith.constant 0 : i32
      %dma_wait3A_61 = arith.constant 0 : i32
      %dma_wait3A_62 = tpu.memref_slice %arg6[%dma_wait3A_60, %dma_wait3A_61] : memref<128x128xf32, #tpu.memory_space<vmem>> -> memref<104x128xf32, #tpu.memory_space<vmem>>
      tpu.wait_dma2 semaphore(%run_scoped3A : memref<!tpu.dma_semaphore, #tpu.memory_space<semaphore_mem>>) src(%dma_wait3A_62 : memref<104x128xf32, #tpu.memory_space<vmem>>) dst(%dma_wait3A_59 : memref<104x128xf32, #tpu.memory_space<vmem_shared>>)
      tpu.yield
    }) : () -> ()
    %add3A_15 = arith.constant 312 : i32
    %add3A_16 = arith.addi %mul3A_8, %add3A_15 : i32
    "tpu.region"() ({
      %run_scoped3A = tpu.sem_alloc : memref<!tpu.dma_semaphore, #tpu.memory_space<semaphore_mem>>
      %dma_start3A = arith.constant 0 : i32
      %dma_start3A_45 = arith.constant 0 : i32
      %dma_start3A_46 = tpu.memref_slice %arg6[%dma_start3A, %dma_start3A_45] : memref<128x128xf32, #tpu.memory_space<vmem>> -> memref<104x128xf32, #tpu.memory_space<vmem>>
      %dma_start3A_47 = arith.constant 0 : i32
      %dma_start3A_48 = tpu.memref_slice %arg4[%add3A_16, %dma_start3A_47] : memref<10016x128xf32, #tpu.memory_space<vmem_shared>> -> memref<104x128xf32, #tpu.memory_space<vmem_shared>>
      %dma_start3A_49 = arith.constant 0 : i32
      %dma_start3A_50 = tpu.memref_slice %arg4[%add3A_16, %dma_start3A_49] : memref<10016x128xf32, #tpu.memory_space<vmem_shared>> -> memref<104x128xf32, #tpu.memory_space<vmem_shared>>
      %dma_start3A_51 = arith.constant 0 : i32
      %dma_start3A_52 = arith.constant 0 : i32
      %dma_start3A_53 = tpu.memref_slice %arg6[%dma_start3A_51, %dma_start3A_52] : memref<128x128xf32, #tpu.memory_space<vmem>> -> memref<104x128xf32, #tpu.memory_space<vmem>>
      tpu.enqueue_dma source(%dma_start3A_53 : memref<104x128xf32, #tpu.memory_space<vmem>>) target(%dma_start3A_50 : memref<104x128xf32, #tpu.memory_space<vmem_shared>>) target_semaphore(%run_scoped3A : memref<!tpu.dma_semaphore, #tpu.memory_space<semaphore_mem>>)
      %dma_wait3A = arith.constant 0 : i32
      %dma_wait3A_54 = arith.constant 0 : i32
      %dma_wait3A_55 = tpu.memref_slice %arg6[%dma_wait3A, %dma_wait3A_54] : memref<128x128xf32, #tpu.memory_space<vmem>> -> memref<104x128xf32, #tpu.memory_space<vmem>>
      %dma_wait3A_56 = arith.constant 0 : i32
      %dma_wait3A_57 = tpu.memref_slice %arg4[%add3A_16, %dma_wait3A_56] : memref<10016x128xf32, #tpu.memory_space<vmem_shared>> -> memref<104x128xf32, #tpu.memory_space<vmem_shared>>
      %dma_wait3A_58 = arith.constant 0 : i32
      %dma_wait3A_59 = tpu.memref_slice %arg4[%add3A_16, %dma_wait3A_58] : memref<10016x128xf32, #tpu.memory_space<vmem_shared>> -> memref<104x128xf32, #tpu.memory_space<vmem_shared>>
      %dma_wait3A_60 = arith.constant 0 : i32
      %dma_wait3A_61 = arith.constant 0 : i32
      %dma_wait3A_62 = tpu.memref_slice %arg6[%dma_wait3A_60, %dma_wait3A_61] : memref<128x128xf32, #tpu.memory_space<vmem>> -> memref<104x128xf32, #tpu.memory_space<vmem>>
      tpu.wait_dma2 semaphore(%run_scoped3A : memref<!tpu.dma_semaphore, #tpu.memory_space<semaphore_mem>>) src(%dma_wait3A_62 : memref<104x128xf32, #tpu.memory_space<vmem>>) dst(%dma_wait3A_59 : memref<104x128xf32, #tpu.memory_space<vmem_shared>>)
      tpu.yield
    }) : () -> ()
    %add3A_17 = arith.constant 416 : i32
    %add3A_18 = arith.addi %mul3A_8, %add3A_17 : i32
    "tpu.region"() ({
      %run_scoped3A = tpu.sem_alloc : memref<!tpu.dma_semaphore, #tpu.memory_space<semaphore_mem>>
      %dma_start3A = arith.constant 0 : i32
      %dma_start3A_45 = arith.constant 0 : i32
      %dma_start3A_46 = tpu.memref_slice %arg6[%dma_start3A, %dma_start3A_45] : memref<128x128xf32, #tpu.memory_space<vmem>> -> memref<104x128xf32, #tpu.memory_space<vmem>>
      %dma_start3A_47 = arith.constant 0 : i32
      %dma_start3A_48 = tpu.memref_slice %arg4[%add3A_18, %dma_start3A_47] : memref<10016x128xf32, #tpu.memory_space<vmem_shared>> -> memref<104x128xf32, #tpu.memory_space<vmem_shared>>
      %dma_start3A_49 = arith.constant 0 : i32
      %dma_start3A_50 = tpu.memref_slice %arg4[%add3A_18, %dma_start3A_49] : memref<10016x128xf32, #tpu.memory_space<vmem_shared>> -> memref<104x128xf32, #tpu.memory_space<vmem_shared>>
      %dma_start3A_51 = arith.constant 0 : i32
      %dma_start3A_52 = arith.constant 0 : i32
      %dma_start3A_53 = tpu.memref_slice %arg6[%dma_start3A_51, %dma_start3A_52] : memref<128x128xf32, #tpu.memory_space<vmem>> -> memref<104x128xf32, #tpu.memory_space<vmem>>
      tpu.enqueue_dma source(%dma_start3A_53 : memref<104x128xf32, #tpu.memory_space<vmem>>) target(%dma_start3A_50 : memref<104x128xf32, #tpu.memory_space<vmem_shared>>) target_semaphore(%run_scoped3A : memref<!tpu.dma_semaphore, #tpu.memory_space<semaphore_mem>>)
      %dma_wait3A = arith.constant 0 : i32
      %dma_wait3A_54 = arith.constant 0 : i32
      %dma_wait3A_55 = tpu.memref_slice %arg6[%dma_wait3A, %dma_wait3A_54] : memref<128x128xf32, #tpu.memory_space<vmem>> -> memref<104x128xf32, #tpu.memory_space<vmem>>
      %dma_wait3A_56 = arith.constant 0 : i32
      %dma_wait3A_57 = tpu.memref_slice %arg4[%add3A_18, %dma_wait3A_56] : memref<10016x128xf32, #tpu.memory_space<vmem_shared>> -> memref<104x128xf32, #tpu.memory_space<vmem_shared>>
      %dma_wait3A_58 = arith.constant 0 : i32
      %dma_wait3A_59 = tpu.memref_slice %arg4[%add3A_18, %dma_wait3A_58] : memref<10016x128xf32, #tpu.memory_space<vmem_shared>> -> memref<104x128xf32, #tpu.memory_space<vmem_shared>>
      %dma_wait3A_60 = arith.constant 0 : i32
      %dma_wait3A_61 = arith.constant 0 : i32
      %dma_wait3A_62 = tpu.memref_slice %arg6[%dma_wait3A_60, %dma_wait3A_61] : memref<128x128xf32, #tpu.memory_space<vmem>> -> memref<104x128xf32, #tpu.memory_space<vmem>>
      tpu.wait_dma2 semaphore(%run_scoped3A : memref<!tpu.dma_semaphore, #tpu.memory_space<semaphore_mem>>) src(%dma_wait3A_62 : memref<104x128xf32, #tpu.memory_space<vmem>>) dst(%dma_wait3A_59 : memref<104x128xf32, #tpu.memory_space<vmem_shared>>)
      tpu.yield
    }) : () -> ()
    %add3A_19 = arith.constant 520 : i32
    %add3A_20 = arith.addi %mul3A_8, %add3A_19 : i32
    "tpu.region"() ({
      %run_scoped3A = tpu.sem_alloc : memref<!tpu.dma_semaphore, #tpu.memory_space<semaphore_mem>>
      %dma_start3A = arith.constant 0 : i32
      %dma_start3A_45 = arith.constant 0 : i32
      %dma_start3A_46 = tpu.memref_slice %arg6[%dma_start3A, %dma_start3A_45] : memref<128x128xf32, #tpu.memory_space<vmem>> -> memref<104x128xf32, #tpu.memory_space<vmem>>
      %dma_start3A_47 = arith.constant 0 : i32
      %dma_start3A_48 = tpu.memref_slice %arg4[%add3A_20, %dma_start3A_47] : memref<10016x128xf32, #tpu.memory_space<vmem_shared>> -> memref<104x128xf32, #tpu.memory_space<vmem_shared>>
      %dma_start3A_49 = arith.constant 0 : i32
      %dma_start3A_50 = tpu.memref_slice %arg4[%add3A_20, %dma_start3A_49] : memref<10016x128xf32, #tpu.memory_space<vmem_shared>> -> memref<104x128xf32, #tpu.memory_space<vmem_shared>>
      %dma_start3A_51 = arith.constant 0 : i32
      %dma_start3A_52 = arith.constant 0 : i32
      %dma_start3A_53 = tpu.memref_slice %arg6[%dma_start3A_51, %dma_start3A_52] : memref<128x128xf32, #tpu.memory_space<vmem>> -> memref<104x128xf32, #tpu.memory_space<vmem>>
      tpu.enqueue_dma source(%dma_start3A_53 : memref<104x128xf32, #tpu.memory_space<vmem>>) target(%dma_start3A_50 : memref<104x128xf32, #tpu.memory_space<vmem_shared>>) target_semaphore(%run_scoped3A : memref<!tpu.dma_semaphore, #tpu.memory_space<semaphore_mem>>)
      %dma_wait3A = arith.constant 0 : i32
      %dma_wait3A_54 = arith.constant 0 : i32
      %dma_wait3A_55 = tpu.memref_slice %arg6[%dma_wait3A, %dma_wait3A_54] : memref<128x128xf32, #tpu.memory_space<vmem>> -> memref<104x128xf32, #tpu.memory_space<vmem>>
      %dma_wait3A_56 = arith.constant 0 : i32
      %dma_wait3A_57 = tpu.memref_slice %arg4[%add3A_20, %dma_wait3A_56] : memref<10016x128xf32, #tpu.memory_space<vmem_shared>> -> memref<104x128xf32, #tpu.memory_space<vmem_shared>>
      %dma_wait3A_58 = arith.constant 0 : i32
      %dma_wait3A_59 = tpu.memref_slice %arg4[%add3A_20, %dma_wait3A_58] : memref<10016x128xf32, #tpu.memory_space<vmem_shared>> -> memref<104x128xf32, #tpu.memory_space<vmem_shared>>
      %dma_wait3A_60 = arith.constant 0 : i32
      %dma_wait3A_61 = arith.constant 0 : i32
      %dma_wait3A_62 = tpu.memref_slice %arg6[%dma_wait3A_60, %dma_wait3A_61] : memref<128x128xf32, #tpu.memory_space<vmem>> -> memref<104x128xf32, #tpu.memory_space<vmem>>
      tpu.wait_dma2 semaphore(%run_scoped3A : memref<!tpu.dma_semaphore, #tpu.memory_space<semaphore_mem>>) src(%dma_wait3A_62 : memref<104x128xf32, #tpu.memory_space<vmem>>) dst(%dma_wait3A_59 : memref<104x128xf32, #tpu.memory_space<vmem_shared>>)
      tpu.yield
    }) : () -> ()
    %eq3A = arith.constant 15 : i32
    %eq3A_21 = arith.cmpi eq, %arg1, %eq3A : i32
    %convert_element_type3A = arith.extui %eq3A_21 : i1 to i32
    %cond3A = arith.constant 0 : i32
    %cond3A_22 = arith.cmpi ne, %convert_element_type3A, %cond3A : i32
    scf.if %cond3A_22 {
      "tpu.region"() ({
        %run_scoped3A = tpu.sem_alloc : memref<!tpu.dma_semaphore, #tpu.memory_space<semaphore_mem>>
        %dma_start3A = arith.constant 0 : i32
        %dma_start3A_45 = arith.constant 0 : i32
        %dma_start3A_46 = tpu.memref_slice %arg6[%dma_start3A, %dma_start3A_45] : memref<128x128xf32, #tpu.memory_space<vmem>> -> memref<16x128xf32, #tpu.memory_space<vmem>>
        %dma_start3A_47 = arith.constant 9984 : i32
        %dma_start3A_48 = arith.constant 0 : i32
        %dma_start3A_49 = tpu.memref_slice %arg4[%dma_start3A_47, %dma_start3A_48] : memref<10016x128xf32, #tpu.memory_space<vmem_shared>> -> memref<16x128xf32, #tpu.memory_space<vmem_shared>>
        %dma_start3A_50 = arith.constant 9984 : i32
        %dma_start3A_51 = arith.constant 0 : i32
        %dma_start3A_52 = tpu.memref_slice %arg4[%dma_start3A_50, %dma_start3A_51] : memref<10016x128xf32, #tpu.memory_space<vmem_shared>> -> memref<16x128xf32, #tpu.memory_space<vmem_shared>>
        %dma_start3A_53 = arith.constant 0 : i32
        %dma_start3A_54 = arith.constant 0 : i32
        %dma_start3A_55 = tpu.memref_slice %arg6[%dma_start3A_53, %dma_start3A_54] : memref<128x128xf32, #tpu.memory_space<vmem>> -> memref<16x128xf32, #tpu.memory_space<vmem>>
        tpu.enqueue_dma source(%dma_start3A_55 : memref<16x128xf32, #tpu.memory_space<vmem>>) target(%dma_start3A_52 : memref<16x128xf32, #tpu.memory_space<vmem_shared>>) target_semaphore(%run_scoped3A : memref<!tpu.dma_semaphore, #tpu.memory_space<semaphore_mem>>)
        %dma_wait3A = arith.constant 0 : i32
        %dma_wait3A_56 = arith.constant 0 : i32
        %dma_wait3A_57 = tpu.memref_slice %arg6[%dma_wait3A, %dma_wait3A_56] : memref<128x128xf32, #tpu.memory_space<vmem>> -> memref<16x128xf32, #tpu.memory_space<vmem>>
        %dma_wait3A_58 = arith.constant 9984 : i32
        %dma_wait3A_59 = arith.constant 0 : i32
        %dma_wait3A_60 = tpu.memref_slice %arg4[%dma_wait3A_58, %dma_wait3A_59] : memref<10016x128xf32, #tpu.memory_space<vmem_shared>> -> memref<16x128xf32, #tpu.memory_space<vmem_shared>>
        %dma_wait3A_61 = arith.constant 9984 : i32
        %dma_wait3A_62 = arith.constant 0 : i32
        %dma_wait3A_63 = tpu.memref_slice %arg4[%dma_wait3A_61, %dma_wait3A_62] : memref<10016x128xf32, #tpu.memory_space<vmem_shared>> -> memref<16x128xf32, #tpu.memory_space<vmem_shared>>
        %dma_wait3A_64 = arith.constant 0 : i32
        %dma_wait3A_65 = arith.constant 0 : i32
        %dma_wait3A_66 = tpu.memref_slice %arg6[%dma_wait3A_64, %dma_wait3A_65] : memref<128x128xf32, #tpu.memory_space<vmem>> -> memref<16x128xf32, #tpu.memory_space<vmem>>
        tpu.wait_dma2 semaphore(%run_scoped3A : memref<!tpu.dma_semaphore, #tpu.memory_space<semaphore_mem>>) src(%dma_wait3A_66 : memref<16x128xf32, #tpu.memory_space<vmem>>) dst(%dma_wait3A_63 : memref<16x128xf32, #tpu.memory_space<vmem_shared>>)
        tpu.yield
      }) : () -> ()
    } else {
    }
    %broadcast_in_dim3A_23 = arith.constant 1.000000e+00 : f32
    %broadcast_in_dim3A_24 = vector.broadcast %broadcast_in_dim3A_23 : f32 to vector<16xf32>
    %scan3A_25 = arith.constant 0 : i32
    %scan3A_26 = arith.constant 0 : i32
    %scan3A_27 = arith.constant 128 : i32
    %scan3A_28 = arith.addi %scan3A_26, %scan3A_27 : i32
    %scan3A_29 = arith.constant 1 : i32
    scf.for %scan3A_45 = %scan3A_26 to %scan3A_28 step %scan3A_29  : i32 {
      %swap3A = arith.index_cast %scan3A_45 : i32 to index
      %swap3A_46 = arith.constant 0 : index
      %swap3A_47 = tpu.vector_load %arg6[%swap3A, %swap3A_46] {strides = array<i32>} : memref<128x128xf32, #tpu.memory_space<vmem>>, vector<1x16xf32>,
      %swap3A_48 = vector.shape_cast %swap3A_47 : vector<1x16xf32> to vector<16xf32>
      %swap3A_49 = vector.shape_cast %broadcast_in_dim3A_24 : vector<16xf32> to vector<1x16xf32>
      tpu.vector_store %arg6[%swap3A, %swap3A_46], %swap3A_49 {strides = array<i32>} : memref<128x128xf32, #tpu.memory_space<vmem>>, vector<1x16xf32>,
      %swap3A_50 = arith.index_cast %scan3A_45 : i32 to index
      %swap3A_51 = arith.constant 16 : index
      %swap3A_52 = tpu.vector_load %arg6[%swap3A_50, %swap3A_51] {strides = array<i32>} : memref<128x128xf32, #tpu.memory_space<vmem>>, vector<1x16xf32>,
      %swap3A_53 = vector.shape_cast %swap3A_52 : vector<1x16xf32> to vector<16xf32>
      %swap3A_54 = vector.shape_cast %broadcast_in_dim3A_24 : vector<16xf32> to vector<1x16xf32>
      tpu.vector_store %arg6[%swap3A_50, %swap3A_51], %swap3A_54 {strides = array<i32>} : memref<128x128xf32, #tpu.memory_space<vmem>>, vector<1x16xf32>,
      %swap3A_55 = arith.index_cast %scan3A_45 : i32 to index
      %swap3A_56 = arith.constant 32 : index
      %swap3A_57 = tpu.vector_load %arg6[%swap3A_55, %swap3A_56] {strides = array<i32>} : memref<128x128xf32, #tpu.memory_space<vmem>>, vector<1x16xf32>,
      %swap3A_58 = vector.shape_cast %swap3A_57 : vector<1x16xf32> to vector<16xf32>
      %swap3A_59 = vector.shape_cast %broadcast_in_dim3A_24 : vector<16xf32> to vector<1x16xf32>
      tpu.vector_store %arg6[%swap3A_55, %swap3A_56], %swap3A_59 {strides = array<i32>} : memref<128x128xf32, #tpu.memory_space<vmem>>, vector<1x16xf32>,
      %swap3A_60 = arith.index_cast %scan3A_45 : i32 to index
      %swap3A_61 = arith.constant 48 : index
      %swap3A_62 = tpu.vector_load %arg6[%swap3A_60, %swap3A_61] {strides = array<i32>} : memref<128x128xf32, #tpu.memory_space<vmem>>, vector<1x16xf32>,
      %swap3A_63 = vector.shape_cast %swap3A_62 : vector<1x16xf32> to vector<16xf32>
      %swap3A_64 = vector.shape_cast %broadcast_in_dim3A_24 : vector<16xf32> to vector<1x16xf32>
      tpu.vector_store %arg6[%swap3A_60, %swap3A_61], %swap3A_64 {strides = array<i32>} : memref<128x128xf32, #tpu.memory_space<vmem>>, vector<1x16xf32>,
      %swap3A_65 = arith.index_cast %scan3A_45 : i32 to index
      %swap3A_66 = arith.constant 64 : index
      %swap3A_67 = tpu.vector_load %arg6[%swap3A_65, %swap3A_66] {strides = array<i32>} : memref<128x128xf32, #tpu.memory_space<vmem>>, vector<1x16xf32>,
      %swap3A_68 = vector.shape_cast %swap3A_67 : vector<1x16xf32> to vector<16xf32>
      %swap3A_69 = vector.shape_cast %broadcast_in_dim3A_24 : vector<16xf32> to vector<1x16xf32>
      tpu.vector_store %arg6[%swap3A_65, %swap3A_66], %swap3A_69 {strides = array<i32>} : memref<128x128xf32, #tpu.memory_space<vmem>>, vector<1x16xf32>,
      %swap3A_70 = arith.index_cast %scan3A_45 : i32 to index
      %swap3A_71 = arith.constant 80 : index
      %swap3A_72 = tpu.vector_load %arg6[%swap3A_70, %swap3A_71] {strides = array<i32>} : memref<128x128xf32, #tpu.memory_space<vmem>>, vector<1x16xf32>,
      %swap3A_73 = vector.shape_cast %swap3A_72 : vector<1x16xf32> to vector<16xf32>
      %swap3A_74 = vector.shape_cast %broadcast_in_dim3A_24 : vector<16xf32> to vector<1x16xf32>
      tpu.vector_store %arg6[%swap3A_70, %swap3A_71], %swap3A_74 {strides = array<i32>} : memref<128x128xf32, #tpu.memory_space<vmem>>, vector<1x16xf32>,
      %swap3A_75 = arith.index_cast %scan3A_45 : i32 to index
      %swap3A_76 = arith.constant 96 : index
      %swap3A_77 = tpu.vector_load %arg6[%swap3A_75, %swap3A_76] {strides = array<i32>} : memref<128x128xf32, #tpu.memory_space<vmem>>, vector<1x16xf32>,
      %swap3A_78 = vector.shape_cast %swap3A_77 : vector<1x16xf32> to vector<16xf32>
      %swap3A_79 = vector.shape_cast %broadcast_in_dim3A_24 : vector<16xf32> to vector<1x16xf32>
      tpu.vector_store %arg6[%swap3A_75, %swap3A_76], %swap3A_79 {strides = array<i32>} : memref<128x128xf32, #tpu.memory_space<vmem>>, vector<1x16xf32>,
      %swap3A_80 = arith.index_cast %scan3A_45 : i32 to index
      %swap3A_81 = arith.constant 112 : index
      %swap3A_82 = tpu.vector_load %arg6[%swap3A_80, %swap3A_81] {strides = array<i32>} : memref<128x128xf32, #tpu.memory_space<vmem>>, vector<1x16xf32>,
      %swap3A_83 = vector.shape_cast %swap3A_82 : vector<1x16xf32> to vector<16xf32>
      %swap3A_84 = vector.shape_cast %broadcast_in_dim3A_24 : vector<16xf32> to vector<1x16xf32>
      tpu.vector_store %arg6[%swap3A_80, %swap3A_81], %swap3A_84 {strides = array<i32>} : memref<128x128xf32, #tpu.memory_space<vmem>>, vector<1x16xf32>,
    }
    %scan3A_30 = arith.constant 128 : i32
    %barrier3A = arith.constant 0 : index
    tpu.barrier barrier_id(%barrier3A)
    %scan3A_31 = arith.constant 0 : i32
    %scan3A_32 = arith.constant 0 : i32
    %scan3A_33 = arith.constant 80 : i32
    %scan3A_34 = arith.addi %scan3A_32, %scan3A_33 : i32
    %scan3A_35 = arith.constant 1 : i32
    scf.for %scan3A_45 = %scan3A_32 to %scan3A_34 step %scan3A_35  : i32 {
      "tpu.region"() ({
        %run_scoped3A = tpu.sem_alloc : memref<!tpu.dma_semaphore, #tpu.memory_space<semaphore_mem>>
        %dma_start3A = arith.constant 0 : i32
        %dma_start3A_46 = tpu.memref_slice %arg2[%add3A, %scan3A_45, %dma_start3A] : memref<32x80x128xi32, #tpu.memory_space<hbm>> -> memref<1x1x128xi32, #tpu.memory_space<hbm>>
        %dma_start3A_47 = tpu.memref_squeeze %dma_start3A_46 : memref<1x1x128xi32, #tpu.memory_space<hbm>> -> memref<128xi32, #tpu.memory_space<hbm>>
        %dma_start3A_48 = arith.constant 0 : i32
        %dma_start3A_49 = tpu.memref_slice %arg2[%add3A, %scan3A_45, %dma_start3A_48] : memref<32x80x128xi32, #tpu.memory_space<hbm>> -> memref<1x1x128xi32, #tpu.memory_space<hbm>>
        %dma_start3A_50 = tpu.memref_squeeze %dma_start3A_49 : memref<1x1x128xi32, #tpu.memory_space<hbm>> -> memref<128xi32, #tpu.memory_space<hbm>>
        tpu.enqueue_dma source(%dma_start3A_50 : memref<128xi32, #tpu.memory_space<hbm>>) target(%arg5 : memref<128xi32, #tpu.memory_space<vmem>>) target_semaphore(%run_scoped3A : memref<!tpu.dma_semaphore, #tpu.memory_space<semaphore_mem>>)
        %dma_wait3A = arith.constant 0 : i32
        %dma_wait3A_51 = tpu.memref_slice %arg2[%add3A, %scan3A_45, %dma_wait3A] : memref<32x80x128xi32, #tpu.memory_space<hbm>> -> memref<1x1x128xi32, #tpu.memory_space<hbm>>
        %dma_wait3A_52 = tpu.memref_squeeze %dma_wait3A_51 : memref<1x1x128xi32, #tpu.memory_space<hbm>> -> memref<128xi32, #tpu.memory_space<hbm>>
        %dma_wait3A_53 = arith.constant 0 : i32
        %dma_wait3A_54 = tpu.memref_slice %arg2[%add3A, %scan3A_45, %dma_wait3A_53] : memref<32x80x128xi32, #tpu.memory_space<hbm>> -> memref<1x1x128xi32, #tpu.memory_space<hbm>>
        %dma_wait3A_55 = tpu.memref_squeeze %dma_wait3A_54 : memref<1x1x128xi32, #tpu.memory_space<hbm>> -> memref<128xi32, #tpu.memory_space<hbm>>
        tpu.wait_dma2 semaphore(%run_scoped3A : memref<!tpu.dma_semaphore, #tpu.memory_space<semaphore_mem>>) src(%dma_wait3A_55 : memref<128xi32, #tpu.memory_space<hbm>>) dst(%arg5 : memref<128xi32, #tpu.memory_space<vmem>>)
        tpu.yield
      }) : () -> ()
      "tpu.region"() ({
        %run_scoped3A = tpu.sem_alloc : memref<!tpu.dma_semaphore, #tpu.memory_space<semaphore_mem>>
        %dma_start3A = arith.constant 0 : i32
        %dma_start3A_46 = arith.constant 0 : i32
        %dma_start3A_47 = tpu.memref_slice %arg4[%dma_start3A, %dma_start3A_46] : memref<10016x128xf32, #tpu.memory_space<vmem_shared>> -> memref<10016x128xf32, #tpu.memory_space<vmem_shared>>
        tpu.enqueue_indirect_dma source(%arg6 : memref<128x128xf32, #tpu.memory_space<vmem>>) target(%dma_start3A_47 : memref<10016x128xf32, #tpu.memory_space<vmem_shared>>) offsets(%arg5 : memref<128xi32, #tpu.memory_space<vmem>>) semaphore(%run_scoped3A : memref<!tpu.dma_semaphore, #tpu.memory_space<semaphore_mem>>) {add = true}
        %dma_wait3A = arith.constant 0 : i32
        %dma_wait3A_48 = arith.constant 0 : i32
        %dma_wait3A_49 = tpu.memref_slice %arg4[%dma_wait3A, %dma_wait3A_48] : memref<10016x128xf32, #tpu.memory_space<vmem_shared>> -> memref<10016x128xf32, #tpu.memory_space<vmem_shared>>
        tpu.wait_indirect_dma semaphore(%run_scoped3A : memref<!tpu.dma_semaphore, #tpu.memory_space<semaphore_mem>>) src(%arg6 : memref<128x128xf32, #tpu.memory_space<vmem>>) dst(%dma_wait3A_49 : memref<10016x128xf32, #tpu.memory_space<vmem_shared>>)
        tpu.yield
      }) : () -> ()
    }
    %scan3A_36 = arith.constant 80 : i32
    %barrier3A_37 = arith.constant 0 : index
    tpu.barrier barrier_id(%barrier3A_37)
    %mul3A_38 = arith.constant 624 : i32
    %mul3A_39 = arith.muli %arg1, %mul3A_38 : i32
    "tpu.region"() ({
      %run_scoped3A = tpu.sem_alloc : memref<!tpu.dma_semaphore, #tpu.memory_space<semaphore_mem>>
      %dma_start3A = arith.constant 0 : i32
      %dma_start3A_45 = tpu.memref_slice %arg3[%arg0, %mul3A_39, %dma_start3A] : memref<2x10000x128xf32, #tpu.memory_space<hbm>> -> memref<1x624x128xf32, #tpu.memory_space<hbm>>
      %dma_start3A_46 = tpu.memref_squeeze %dma_start3A_45 : memref<1x624x128xf32, #tpu.memory_space<hbm>> -> memref<624x128xf32, #tpu.memory_space<hbm>>
      %dma_start3A_47 = arith.constant 0 : i32
      %dma_start3A_48 = tpu.memref_slice %arg4[%mul3A_39, %dma_start3A_47] : memref<10016x128xf32, #tpu.memory_space<vmem_shared>> -> memref<624x128xf32, #tpu.memory_space<vmem_shared>>
      tpu.enqueue_dma source(%dma_start3A_48 : memref<624x128xf32, #tpu.memory_space<vmem_shared>>) target(%dma_start3A_46 : memref<624x128xf32, #tpu.memory_space<hbm>>) target_semaphore(%run_scoped3A : memref<!tpu.dma_semaphore, #tpu.memory_space<semaphore_mem>>)
      %dma_wait3A = arith.constant 0 : i32
      %dma_wait3A_49 = tpu.memref_slice %arg3[%arg0, %mul3A_39, %dma_wait3A] : memref<2x10000x128xf32, #tpu.memory_space<hbm>> -> memref<1x624x128xf32, #tpu.memory_space<hbm>>
      %dma_wait3A_50 = tpu.memref_squeeze %dma_wait3A_49 : memref<1x624x128xf32, #tpu.memory_space<hbm>> -> memref<624x128xf32, #tpu.memory_space<hbm>>
      %dma_wait3A_51 = arith.constant 0 : i32
      %dma_wait3A_52 = tpu.memref_slice %arg4[%mul3A_39, %dma_wait3A_51] : memref<10016x128xf32, #tpu.memory_space<vmem_shared>> -> memref<624x128xf32, #tpu.memory_space<vmem_shared>>
      tpu.wait_dma2 semaphore(%run_scoped3A : memref<!tpu.dma_semaphore, #tpu.memory_space<semaphore_mem>>) src(%dma_wait3A_52 : memref<624x128xf32, #tpu.memory_space<vmem_shared>>) dst(%dma_wait3A_50 : memref<624x128xf32, #tpu.memory_space<hbm>>)
      tpu.yield
    }) : () -> ()
    %eq3A_40 = arith.constant 15 : i32
    %eq3A_41 = arith.cmpi eq, %arg1, %eq3A_40 : i32
    %convert_element_type3A_42 = arith.extui %eq3A_41 : i1 to i32
    %cond3A_43 = arith.constant 0 : i32
    %cond3A_44 = arith.cmpi ne, %convert_element_type3A_42, %cond3A_43 : i32
    scf.if %cond3A_44 {
      "tpu.region"() ({
        %run_scoped3A = tpu.sem_alloc : memref<!tpu.dma_semaphore, #tpu.memory_space<semaphore_mem>>
        %dma_start3A = arith.constant 9984 : i32
        %dma_start3A_45 = arith.constant 0 : i32
        %dma_start3A_46 = tpu.memref_slice %arg3[%arg0, %dma_start3A, %dma_start3A_45] : memref<2x10000x128xf32, #tpu.memory_space<hbm>> -> memref<1x16x128xf32, #tpu.memory_space<hbm>>
        %dma_start3A_47 = tpu.memref_squeeze %dma_start3A_46 : memref<1x16x128xf32, #tpu.memory_space<hbm>> -> memref<16x128xf32, #tpu.memory_space<hbm>>
        %dma_start3A_48 = arith.constant 9984 : i32
        %dma_start3A_49 = arith.constant 0 : i32
        %dma_start3A_50 = tpu.memref_slice %arg4[%dma_start3A_48, %dma_start3A_49] : memref<10016x128xf32, #tpu.memory_space<vmem_shared>> -> memref<16x128xf32, #tpu.memory_space<vmem_shared>>
        tpu.enqueue_dma source(%dma_start3A_50 : memref<16x128xf32, #tpu.memory_space<vmem_shared>>) target(%dma_start3A_47 : memref<16x128xf32, #tpu.memory_space<hbm>>) target_semaphore(%run_scoped3A : memref<!tpu.dma_semaphore, #tpu.memory_space<semaphore_mem>>)
        %dma_wait3A = arith.constant 9984 : i32
        %dma_wait3A_51 = arith.constant 0 : i32
        %dma_wait3A_52 = tpu.memref_slice %arg3[%arg0, %dma_wait3A, %dma_wait3A_51] : memref<2x10000x128xf32, #tpu.memory_space<hbm>> -> memref<1x16x128xf32, #tpu.memory_space<hbm>>
        %dma_wait3A_53 = tpu.memref_squeeze %dma_wait3A_52 : memref<1x16x128xf32, #tpu.memory_space<hbm>> -> memref<16x128xf32, #tpu.memory_space<hbm>>
        %dma_wait3A_54 = arith.constant 9984 : i32
        %dma_wait3A_55 = arith.constant 0 : i32
        %dma_wait3A_56 = tpu.memref_slice %arg4[%dma_wait3A_54, %dma_wait3A_55] : memref<10016x128xf32, #tpu.memory_space<vmem_shared>> -> memref<16x128xf32, #tpu.memory_space<vmem_shared>>
        tpu.wait_dma2 semaphore(%run_scoped3A : memref<!tpu.dma_semaphore, #tpu.memory_space<semaphore_mem>>) src(%dma_wait3A_56 : memref<16x128xf32, #tpu.memory_space<vmem_shared>>) dst(%dma_wait3A_53 : memref<16x128xf32, #tpu.memory_space<hbm>>)
        tpu.yield
      }) : () -> ()
    } else {
    }
    return
  }
}

#map = affine_map<(d0, d1) -> (0, 0)>
#map1 = affine_map<(d0, d1) -> (0, 0, 0)>
module attributes {stable_mosaic.version = 14 : i64} {
  func.func @_sc_agg_body(%arg0: i32, %arg1: i32, %arg2: memref<10008x128xf32, #tpu.memory_space<hbm>>, %arg3: memref<32x80x128xi32, #tpu.memory_space<hbm>>, %arg4: memref<32x80x128xi32, #tpu.memory_space<hbm>>, %arg5: memref<2x10000x128xf32, #tpu.memory_space<hbm>>, %arg6: memref<10016x128xf32, #tpu.memory_space<vmem_shared>>, %arg7: memref<128xi32, #tpu.memory_space<vmem>>, %arg8: memref<128xi32, #tpu.memory_space<vmem>>, %arg9: memref<128x128xf32, #tpu.memory_space<vmem>>) attributes {dimension_semantics = [#tpu.dimension_semantics<core_parallel>, #tpu.dimension_semantics<subcore_parallel>], iteration_bounds = array<i64: 2, 16>, scalar_prefetch = 0 : i64, scratch_operands = 4 : i64, tpu.core_type = #tpu.core_type<sc_vector_subcore>, window_params = [{transform_indices = #map}, {transform_indices = #map1}, {transform_indices = #map1}, {transform_indices = #map1}]} {
    %mul3A = arith.constant 16 : i32
    %mul3A_0 = arith.muli %arg0, %mul3A : i32
    %add3A = arith.addi %mul3A_0, %arg1 : i32
    %broadcast_in_dim3A = arith.constant 0.000000e+00 : f32
    %broadcast_in_dim3A_1 = vector.broadcast %broadcast_in_dim3A : f32 to vector<16xf32>
    %scan3A = arith.constant 0 : i32
    %scan3A_2 = arith.constant 0 : i32
    %scan3A_3 = arith.constant 128 : i32
    %scan3A_4 = arith.addi %scan3A_2, %scan3A_3 : i32
    %scan3A_5 = arith.constant 1 : i32
    scf.for %scan3A_37 = %scan3A_2 to %scan3A_4 step %scan3A_5  : i32 {
      %swap3A = arith.index_cast %scan3A_37 : i32 to index
      %swap3A_38 = arith.constant 0 : index
      %swap3A_39 = tpu.vector_load %arg9[%swap3A, %swap3A_38] {strides = array<i32>} : memref<128x128xf32, #tpu.memory_space<vmem>>, vector<1x16xf32>,
      %swap3A_40 = vector.shape_cast %swap3A_39 : vector<1x16xf32> to vector<16xf32>
      %swap3A_41 = vector.shape_cast %broadcast_in_dim3A_1 : vector<16xf32> to vector<1x16xf32>
      tpu.vector_store %arg9[%swap3A, %swap3A_38], %swap3A_41 {strides = array<i32>} : memref<128x128xf32, #tpu.memory_space<vmem>>, vector<1x16xf32>,
      %swap3A_42 = arith.index_cast %scan3A_37 : i32 to index
      %swap3A_43 = arith.constant 16 : index
      %swap3A_44 = tpu.vector_load %arg9[%swap3A_42, %swap3A_43] {strides = array<i32>} : memref<128x128xf32, #tpu.memory_space<vmem>>, vector<1x16xf32>,
      %swap3A_45 = vector.shape_cast %swap3A_44 : vector<1x16xf32> to vector<16xf32>
      %swap3A_46 = vector.shape_cast %broadcast_in_dim3A_1 : vector<16xf32> to vector<1x16xf32>
      tpu.vector_store %arg9[%swap3A_42, %swap3A_43], %swap3A_46 {strides = array<i32>} : memref<128x128xf32, #tpu.memory_space<vmem>>, vector<1x16xf32>,
      %swap3A_47 = arith.index_cast %scan3A_37 : i32 to index
      %swap3A_48 = arith.constant 32 : index
      %swap3A_49 = tpu.vector_load %arg9[%swap3A_47, %swap3A_48] {strides = array<i32>} : memref<128x128xf32, #tpu.memory_space<vmem>>, vector<1x16xf32>,
      %swap3A_50 = vector.shape_cast %swap3A_49 : vector<1x16xf32> to vector<16xf32>
      %swap3A_51 = vector.shape_cast %broadcast_in_dim3A_1 : vector<16xf32> to vector<1x16xf32>
      tpu.vector_store %arg9[%swap3A_47, %swap3A_48], %swap3A_51 {strides = array<i32>} : memref<128x128xf32, #tpu.memory_space<vmem>>, vector<1x16xf32>,
      %swap3A_52 = arith.index_cast %scan3A_37 : i32 to index
      %swap3A_53 = arith.constant 48 : index
      %swap3A_54 = tpu.vector_load %arg9[%swap3A_52, %swap3A_53] {strides = array<i32>} : memref<128x128xf32, #tpu.memory_space<vmem>>, vector<1x16xf32>,
      %swap3A_55 = vector.shape_cast %swap3A_54 : vector<1x16xf32> to vector<16xf32>
      %swap3A_56 = vector.shape_cast %broadcast_in_dim3A_1 : vector<16xf32> to vector<1x16xf32>
      tpu.vector_store %arg9[%swap3A_52, %swap3A_53], %swap3A_56 {strides = array<i32>} : memref<128x128xf32, #tpu.memory_space<vmem>>, vector<1x16xf32>,
      %swap3A_57 = arith.index_cast %scan3A_37 : i32 to index
      %swap3A_58 = arith.constant 64 : index
      %swap3A_59 = tpu.vector_load %arg9[%swap3A_57, %swap3A_58] {strides = array<i32>} : memref<128x128xf32, #tpu.memory_space<vmem>>, vector<1x16xf32>,
      %swap3A_60 = vector.shape_cast %swap3A_59 : vector<1x16xf32> to vector<16xf32>
      %swap3A_61 = vector.shape_cast %broadcast_in_dim3A_1 : vector<16xf32> to vector<1x16xf32>
      tpu.vector_store %arg9[%swap3A_57, %swap3A_58], %swap3A_61 {strides = array<i32>} : memref<128x128xf32, #tpu.memory_space<vmem>>, vector<1x16xf32>,
      %swap3A_62 = arith.index_cast %scan3A_37 : i32 to index
      %swap3A_63 = arith.constant 80 : index
      %swap3A_64 = tpu.vector_load %arg9[%swap3A_62, %swap3A_63] {strides = array<i32>} : memref<128x128xf32, #tpu.memory_space<vmem>>, vector<1x16xf32>,
      %swap3A_65 = vector.shape_cast %swap3A_64 : vector<1x16xf32> to vector<16xf32>
      %swap3A_66 = vector.shape_cast %broadcast_in_dim3A_1 : vector<16xf32> to vector<1x16xf32>
      tpu.vector_store %arg9[%swap3A_62, %swap3A_63], %swap3A_66 {strides = array<i32>} : memref<128x128xf32, #tpu.memory_space<vmem>>, vector<1x16xf32>,
      %swap3A_67 = arith.index_cast %scan3A_37 : i32 to index
      %swap3A_68 = arith.constant 96 : index
      %swap3A_69 = tpu.vector_load %arg9[%swap3A_67, %swap3A_68] {strides = array<i32>} : memref<128x128xf32, #tpu.memory_space<vmem>>, vector<1x16xf32>,
      %swap3A_70 = vector.shape_cast %swap3A_69 : vector<1x16xf32> to vector<16xf32>
      %swap3A_71 = vector.shape_cast %broadcast_in_dim3A_1 : vector<16xf32> to vector<1x16xf32>
      tpu.vector_store %arg9[%swap3A_67, %swap3A_68], %swap3A_71 {strides = array<i32>} : memref<128x128xf32, #tpu.memory_space<vmem>>, vector<1x16xf32>,
      %swap3A_72 = arith.index_cast %scan3A_37 : i32 to index
      %swap3A_73 = arith.constant 112 : index
      %swap3A_74 = tpu.vector_load %arg9[%swap3A_72, %swap3A_73] {strides = array<i32>} : memref<128x128xf32, #tpu.memory_space<vmem>>, vector<1x16xf32>,
      %swap3A_75 = vector.shape_cast %swap3A_74 : vector<1x16xf32> to vector<16xf32>
      %swap3A_76 = vector.shape_cast %broadcast_in_dim3A_1 : vector<16xf32> to vector<1x16xf32>
      tpu.vector_store %arg9[%swap3A_72, %swap3A_73], %swap3A_76 {strides = array<i32>} : memref<128x128xf32, #tpu.memory_space<vmem>>, vector<1x16xf32>,
    }
    %scan3A_6 = arith.constant 128 : i32
    %mul3A_7 = arith.constant 624 : i32
    %mul3A_8 = arith.muli %arg1, %mul3A_7 : i32
    %add3A_9 = arith.constant 0 : i32
    %add3A_10 = arith.addi %mul3A_8, %add3A_9 : i32
    "tpu.region"() ({
      %run_scoped3A = tpu.sem_alloc : memref<!tpu.dma_semaphore, #tpu.memory_space<semaphore_mem>>
      %dma_start3A = arith.constant 0 : i32
      %dma_start3A_37 = arith.constant 0 : i32
      %dma_start3A_38 = tpu.memref_slice %arg9[%dma_start3A, %dma_start3A_37] : memref<128x128xf32, #tpu.memory_space<vmem>> -> memref<104x128xf32, #tpu.memory_space<vmem>>
      %dma_start3A_39 = arith.constant 0 : i32
      %dma_start3A_40 = tpu.memref_slice %arg6[%add3A_10, %dma_start3A_39] : memref<10016x128xf32, #tpu.memory_space<vmem_shared>> -> memref<104x128xf32, #tpu.memory_space<vmem_shared>>
      %dma_start3A_41 = arith.constant 0 : i32
      %dma_start3A_42 = tpu.memref_slice %arg6[%add3A_10, %dma_start3A_41] : memref<10016x128xf32, #tpu.memory_space<vmem_shared>> -> memref<104x128xf32, #tpu.memory_space<vmem_shared>>
      %dma_start3A_43 = arith.constant 0 : i32
      %dma_start3A_44 = arith.constant 0 : i32
      %dma_start3A_45 = tpu.memref_slice %arg9[%dma_start3A_43, %dma_start3A_44] : memref<128x128xf32, #tpu.memory_space<vmem>> -> memref<104x128xf32, #tpu.memory_space<vmem>>
      tpu.enqueue_dma source(%dma_start3A_45 : memref<104x128xf32, #tpu.memory_space<vmem>>) target(%dma_start3A_42 : memref<104x128xf32, #tpu.memory_space<vmem_shared>>) target_semaphore(%run_scoped3A : memref<!tpu.dma_semaphore, #tpu.memory_space<semaphore_mem>>)
      %dma_wait3A = arith.constant 0 : i32
      %dma_wait3A_46 = arith.constant 0 : i32
      %dma_wait3A_47 = tpu.memref_slice %arg9[%dma_wait3A, %dma_wait3A_46] : memref<128x128xf32, #tpu.memory_space<vmem>> -> memref<104x128xf32, #tpu.memory_space<vmem>>
      %dma_wait3A_48 = arith.constant 0 : i32
      %dma_wait3A_49 = tpu.memref_slice %arg6[%add3A_10, %dma_wait3A_48] : memref<10016x128xf32, #tpu.memory_space<vmem_shared>> -> memref<104x128xf32, #tpu.memory_space<vmem_shared>>
      %dma_wait3A_50 = arith.constant 0 : i32
      %dma_wait3A_51 = tpu.memref_slice %arg6[%add3A_10, %dma_wait3A_50] : memref<10016x128xf32, #tpu.memory_space<vmem_shared>> -> memref<104x128xf32, #tpu.memory_space<vmem_shared>>
      %dma_wait3A_52 = arith.constant 0 : i32
      %dma_wait3A_53 = arith.constant 0 : i32
      %dma_wait3A_54 = tpu.memref_slice %arg9[%dma_wait3A_52, %dma_wait3A_53] : memref<128x128xf32, #tpu.memory_space<vmem>> -> memref<104x128xf32, #tpu.memory_space<vmem>>
      tpu.wait_dma2 semaphore(%run_scoped3A : memref<!tpu.dma_semaphore, #tpu.memory_space<semaphore_mem>>) src(%dma_wait3A_54 : memref<104x128xf32, #tpu.memory_space<vmem>>) dst(%dma_wait3A_51 : memref<104x128xf32, #tpu.memory_space<vmem_shared>>)
      tpu.yield
    }) : () -> ()
    %add3A_11 = arith.constant 104 : i32
    %add3A_12 = arith.addi %mul3A_8, %add3A_11 : i32
    "tpu.region"() ({
      %run_scoped3A = tpu.sem_alloc : memref<!tpu.dma_semaphore, #tpu.memory_space<semaphore_mem>>
      %dma_start3A = arith.constant 0 : i32
      %dma_start3A_37 = arith.constant 0 : i32
      %dma_start3A_38 = tpu.memref_slice %arg9[%dma_start3A, %dma_start3A_37] : memref<128x128xf32, #tpu.memory_space<vmem>> -> memref<104x128xf32, #tpu.memory_space<vmem>>
      %dma_start3A_39 = arith.constant 0 : i32
      %dma_start3A_40 = tpu.memref_slice %arg6[%add3A_12, %dma_start3A_39] : memref<10016x128xf32, #tpu.memory_space<vmem_shared>> -> memref<104x128xf32, #tpu.memory_space<vmem_shared>>
      %dma_start3A_41 = arith.constant 0 : i32
      %dma_start3A_42 = tpu.memref_slice %arg6[%add3A_12, %dma_start3A_41] : memref<10016x128xf32, #tpu.memory_space<vmem_shared>> -> memref<104x128xf32, #tpu.memory_space<vmem_shared>>
      %dma_start3A_43 = arith.constant 0 : i32
      %dma_start3A_44 = arith.constant 0 : i32
      %dma_start3A_45 = tpu.memref_slice %arg9[%dma_start3A_43, %dma_start3A_44] : memref<128x128xf32, #tpu.memory_space<vmem>> -> memref<104x128xf32, #tpu.memory_space<vmem>>
      tpu.enqueue_dma source(%dma_start3A_45 : memref<104x128xf32, #tpu.memory_space<vmem>>) target(%dma_start3A_42 : memref<104x128xf32, #tpu.memory_space<vmem_shared>>) target_semaphore(%run_scoped3A : memref<!tpu.dma_semaphore, #tpu.memory_space<semaphore_mem>>)
      %dma_wait3A = arith.constant 0 : i32
      %dma_wait3A_46 = arith.constant 0 : i32
      %dma_wait3A_47 = tpu.memref_slice %arg9[%dma_wait3A, %dma_wait3A_46] : memref<128x128xf32, #tpu.memory_space<vmem>> -> memref<104x128xf32, #tpu.memory_space<vmem>>
      %dma_wait3A_48 = arith.constant 0 : i32
      %dma_wait3A_49 = tpu.memref_slice %arg6[%add3A_12, %dma_wait3A_48] : memref<10016x128xf32, #tpu.memory_space<vmem_shared>> -> memref<104x128xf32, #tpu.memory_space<vmem_shared>>
      %dma_wait3A_50 = arith.constant 0 : i32
      %dma_wait3A_51 = tpu.memref_slice %arg6[%add3A_12, %dma_wait3A_50] : memref<10016x128xf32, #tpu.memory_space<vmem_shared>> -> memref<104x128xf32, #tpu.memory_space<vmem_shared>>
      %dma_wait3A_52 = arith.constant 0 : i32
      %dma_wait3A_53 = arith.constant 0 : i32
      %dma_wait3A_54 = tpu.memref_slice %arg9[%dma_wait3A_52, %dma_wait3A_53] : memref<128x128xf32, #tpu.memory_space<vmem>> -> memref<104x128xf32, #tpu.memory_space<vmem>>
      tpu.wait_dma2 semaphore(%run_scoped3A : memref<!tpu.dma_semaphore, #tpu.memory_space<semaphore_mem>>) src(%dma_wait3A_54 : memref<104x128xf32, #tpu.memory_space<vmem>>) dst(%dma_wait3A_51 : memref<104x128xf32, #tpu.memory_space<vmem_shared>>)
      tpu.yield
    }) : () -> ()
    %add3A_13 = arith.constant 208 : i32
    %add3A_14 = arith.addi %mul3A_8, %add3A_13 : i32
    "tpu.region"() ({
      %run_scoped3A = tpu.sem_alloc : memref<!tpu.dma_semaphore, #tpu.memory_space<semaphore_mem>>
      %dma_start3A = arith.constant 0 : i32
      %dma_start3A_37 = arith.constant 0 : i32
      %dma_start3A_38 = tpu.memref_slice %arg9[%dma_start3A, %dma_start3A_37] : memref<128x128xf32, #tpu.memory_space<vmem>> -> memref<104x128xf32, #tpu.memory_space<vmem>>
      %dma_start3A_39 = arith.constant 0 : i32
      %dma_start3A_40 = tpu.memref_slice %arg6[%add3A_14, %dma_start3A_39] : memref<10016x128xf32, #tpu.memory_space<vmem_shared>> -> memref<104x128xf32, #tpu.memory_space<vmem_shared>>
      %dma_start3A_41 = arith.constant 0 : i32
      %dma_start3A_42 = tpu.memref_slice %arg6[%add3A_14, %dma_start3A_41] : memref<10016x128xf32, #tpu.memory_space<vmem_shared>> -> memref<104x128xf32, #tpu.memory_space<vmem_shared>>
      %dma_start3A_43 = arith.constant 0 : i32
      %dma_start3A_44 = arith.constant 0 : i32
      %dma_start3A_45 = tpu.memref_slice %arg9[%dma_start3A_43, %dma_start3A_44] : memref<128x128xf32, #tpu.memory_space<vmem>> -> memref<104x128xf32, #tpu.memory_space<vmem>>
      tpu.enqueue_dma source(%dma_start3A_45 : memref<104x128xf32, #tpu.memory_space<vmem>>) target(%dma_start3A_42 : memref<104x128xf32, #tpu.memory_space<vmem_shared>>) target_semaphore(%run_scoped3A : memref<!tpu.dma_semaphore, #tpu.memory_space<semaphore_mem>>)
      %dma_wait3A = arith.constant 0 : i32
      %dma_wait3A_46 = arith.constant 0 : i32
      %dma_wait3A_47 = tpu.memref_slice %arg9[%dma_wait3A, %dma_wait3A_46] : memref<128x128xf32, #tpu.memory_space<vmem>> -> memref<104x128xf32, #tpu.memory_space<vmem>>
      %dma_wait3A_48 = arith.constant 0 : i32
      %dma_wait3A_49 = tpu.memref_slice %arg6[%add3A_14, %dma_wait3A_48] : memref<10016x128xf32, #tpu.memory_space<vmem_shared>> -> memref<104x128xf32, #tpu.memory_space<vmem_shared>>
      %dma_wait3A_50 = arith.constant 0 : i32
      %dma_wait3A_51 = tpu.memref_slice %arg6[%add3A_14, %dma_wait3A_50] : memref<10016x128xf32, #tpu.memory_space<vmem_shared>> -> memref<104x128xf32, #tpu.memory_space<vmem_shared>>
      %dma_wait3A_52 = arith.constant 0 : i32
      %dma_wait3A_53 = arith.constant 0 : i32
      %dma_wait3A_54 = tpu.memref_slice %arg9[%dma_wait3A_52, %dma_wait3A_53] : memref<128x128xf32, #tpu.memory_space<vmem>> -> memref<104x128xf32, #tpu.memory_space<vmem>>
      tpu.wait_dma2 semaphore(%run_scoped3A : memref<!tpu.dma_semaphore, #tpu.memory_space<semaphore_mem>>) src(%dma_wait3A_54 : memref<104x128xf32, #tpu.memory_space<vmem>>) dst(%dma_wait3A_51 : memref<104x128xf32, #tpu.memory_space<vmem_shared>>)
      tpu.yield
    }) : () -> ()
    %add3A_15 = arith.constant 312 : i32
    %add3A_16 = arith.addi %mul3A_8, %add3A_15 : i32
    "tpu.region"() ({
      %run_scoped3A = tpu.sem_alloc : memref<!tpu.dma_semaphore, #tpu.memory_space<semaphore_mem>>
      %dma_start3A = arith.constant 0 : i32
      %dma_start3A_37 = arith.constant 0 : i32
      %dma_start3A_38 = tpu.memref_slice %arg9[%dma_start3A, %dma_start3A_37] : memref<128x128xf32, #tpu.memory_space<vmem>> -> memref<104x128xf32, #tpu.memory_space<vmem>>
      %dma_start3A_39 = arith.constant 0 : i32
      %dma_start3A_40 = tpu.memref_slice %arg6[%add3A_16, %dma_start3A_39] : memref<10016x128xf32, #tpu.memory_space<vmem_shared>> -> memref<104x128xf32, #tpu.memory_space<vmem_shared>>
      %dma_start3A_41 = arith.constant 0 : i32
      %dma_start3A_42 = tpu.memref_slice %arg6[%add3A_16, %dma_start3A_41] : memref<10016x128xf32, #tpu.memory_space<vmem_shared>> -> memref<104x128xf32, #tpu.memory_space<vmem_shared>>
      %dma_start3A_43 = arith.constant 0 : i32
      %dma_start3A_44 = arith.constant 0 : i32
      %dma_start3A_45 = tpu.memref_slice %arg9[%dma_start3A_43, %dma_start3A_44] : memref<128x128xf32, #tpu.memory_space<vmem>> -> memref<104x128xf32, #tpu.memory_space<vmem>>
      tpu.enqueue_dma source(%dma_start3A_45 : memref<104x128xf32, #tpu.memory_space<vmem>>) target(%dma_start3A_42 : memref<104x128xf32, #tpu.memory_space<vmem_shared>>) target_semaphore(%run_scoped3A : memref<!tpu.dma_semaphore, #tpu.memory_space<semaphore_mem>>)
      %dma_wait3A = arith.constant 0 : i32
      %dma_wait3A_46 = arith.constant 0 : i32
      %dma_wait3A_47 = tpu.memref_slice %arg9[%dma_wait3A, %dma_wait3A_46] : memref<128x128xf32, #tpu.memory_space<vmem>> -> memref<104x128xf32, #tpu.memory_space<vmem>>
      %dma_wait3A_48 = arith.constant 0 : i32
      %dma_wait3A_49 = tpu.memref_slice %arg6[%add3A_16, %dma_wait3A_48] : memref<10016x128xf32, #tpu.memory_space<vmem_shared>> -> memref<104x128xf32, #tpu.memory_space<vmem_shared>>
      %dma_wait3A_50 = arith.constant 0 : i32
      %dma_wait3A_51 = tpu.memref_slice %arg6[%add3A_16, %dma_wait3A_50] : memref<10016x128xf32, #tpu.memory_space<vmem_shared>> -> memref<104x128xf32, #tpu.memory_space<vmem_shared>>
      %dma_wait3A_52 = arith.constant 0 : i32
      %dma_wait3A_53 = arith.constant 0 : i32
      %dma_wait3A_54 = tpu.memref_slice %arg9[%dma_wait3A_52, %dma_wait3A_53] : memref<128x128xf32, #tpu.memory_space<vmem>> -> memref<104x128xf32, #tpu.memory_space<vmem>>
      tpu.wait_dma2 semaphore(%run_scoped3A : memref<!tpu.dma_semaphore, #tpu.memory_space<semaphore_mem>>) src(%dma_wait3A_54 : memref<104x128xf32, #tpu.memory_space<vmem>>) dst(%dma_wait3A_51 : memref<104x128xf32, #tpu.memory_space<vmem_shared>>)
      tpu.yield
    }) : () -> ()
    %add3A_17 = arith.constant 416 : i32
    %add3A_18 = arith.addi %mul3A_8, %add3A_17 : i32
    "tpu.region"() ({
      %run_scoped3A = tpu.sem_alloc : memref<!tpu.dma_semaphore, #tpu.memory_space<semaphore_mem>>
      %dma_start3A = arith.constant 0 : i32
      %dma_start3A_37 = arith.constant 0 : i32
      %dma_start3A_38 = tpu.memref_slice %arg9[%dma_start3A, %dma_start3A_37] : memref<128x128xf32, #tpu.memory_space<vmem>> -> memref<104x128xf32, #tpu.memory_space<vmem>>
      %dma_start3A_39 = arith.constant 0 : i32
      %dma_start3A_40 = tpu.memref_slice %arg6[%add3A_18, %dma_start3A_39] : memref<10016x128xf32, #tpu.memory_space<vmem_shared>> -> memref<104x128xf32, #tpu.memory_space<vmem_shared>>
      %dma_start3A_41 = arith.constant 0 : i32
      %dma_start3A_42 = tpu.memref_slice %arg6[%add3A_18, %dma_start3A_41] : memref<10016x128xf32, #tpu.memory_space<vmem_shared>> -> memref<104x128xf32, #tpu.memory_space<vmem_shared>>
      %dma_start3A_43 = arith.constant 0 : i32
      %dma_start3A_44 = arith.constant 0 : i32
      %dma_start3A_45 = tpu.memref_slice %arg9[%dma_start3A_43, %dma_start3A_44] : memref<128x128xf32, #tpu.memory_space<vmem>> -> memref<104x128xf32, #tpu.memory_space<vmem>>
      tpu.enqueue_dma source(%dma_start3A_45 : memref<104x128xf32, #tpu.memory_space<vmem>>) target(%dma_start3A_42 : memref<104x128xf32, #tpu.memory_space<vmem_shared>>) target_semaphore(%run_scoped3A : memref<!tpu.dma_semaphore, #tpu.memory_space<semaphore_mem>>)
      %dma_wait3A = arith.constant 0 : i32
      %dma_wait3A_46 = arith.constant 0 : i32
      %dma_wait3A_47 = tpu.memref_slice %arg9[%dma_wait3A, %dma_wait3A_46] : memref<128x128xf32, #tpu.memory_space<vmem>> -> memref<104x128xf32, #tpu.memory_space<vmem>>
      %dma_wait3A_48 = arith.constant 0 : i32
      %dma_wait3A_49 = tpu.memref_slice %arg6[%add3A_18, %dma_wait3A_48] : memref<10016x128xf32, #tpu.memory_space<vmem_shared>> -> memref<104x128xf32, #tpu.memory_space<vmem_shared>>
      %dma_wait3A_50 = arith.constant 0 : i32
      %dma_wait3A_51 = tpu.memref_slice %arg6[%add3A_18, %dma_wait3A_50] : memref<10016x128xf32, #tpu.memory_space<vmem_shared>> -> memref<104x128xf32, #tpu.memory_space<vmem_shared>>
      %dma_wait3A_52 = arith.constant 0 : i32
      %dma_wait3A_53 = arith.constant 0 : i32
      %dma_wait3A_54 = tpu.memref_slice %arg9[%dma_wait3A_52, %dma_wait3A_53] : memref<128x128xf32, #tpu.memory_space<vmem>> -> memref<104x128xf32, #tpu.memory_space<vmem>>
      tpu.wait_dma2 semaphore(%run_scoped3A : memref<!tpu.dma_semaphore, #tpu.memory_space<semaphore_mem>>) src(%dma_wait3A_54 : memref<104x128xf32, #tpu.memory_space<vmem>>) dst(%dma_wait3A_51 : memref<104x128xf32, #tpu.memory_space<vmem_shared>>)
      tpu.yield
    }) : () -> ()
    %add3A_19 = arith.constant 520 : i32
    %add3A_20 = arith.addi %mul3A_8, %add3A_19 : i32
    "tpu.region"() ({
      %run_scoped3A = tpu.sem_alloc : memref<!tpu.dma_semaphore, #tpu.memory_space<semaphore_mem>>
      %dma_start3A = arith.constant 0 : i32
      %dma_start3A_37 = arith.constant 0 : i32
      %dma_start3A_38 = tpu.memref_slice %arg9[%dma_start3A, %dma_start3A_37] : memref<128x128xf32, #tpu.memory_space<vmem>> -> memref<104x128xf32, #tpu.memory_space<vmem>>
      %dma_start3A_39 = arith.constant 0 : i32
      %dma_start3A_40 = tpu.memref_slice %arg6[%add3A_20, %dma_start3A_39] : memref<10016x128xf32, #tpu.memory_space<vmem_shared>> -> memref<104x128xf32, #tpu.memory_space<vmem_shared>>
      %dma_start3A_41 = arith.constant 0 : i32
      %dma_start3A_42 = tpu.memref_slice %arg6[%add3A_20, %dma_start3A_41] : memref<10016x128xf32, #tpu.memory_space<vmem_shared>> -> memref<104x128xf32, #tpu.memory_space<vmem_shared>>
      %dma_start3A_43 = arith.constant 0 : i32
      %dma_start3A_44 = arith.constant 0 : i32
      %dma_start3A_45 = tpu.memref_slice %arg9[%dma_start3A_43, %dma_start3A_44] : memref<128x128xf32, #tpu.memory_space<vmem>> -> memref<104x128xf32, #tpu.memory_space<vmem>>
      tpu.enqueue_dma source(%dma_start3A_45 : memref<104x128xf32, #tpu.memory_space<vmem>>) target(%dma_start3A_42 : memref<104x128xf32, #tpu.memory_space<vmem_shared>>) target_semaphore(%run_scoped3A : memref<!tpu.dma_semaphore, #tpu.memory_space<semaphore_mem>>)
      %dma_wait3A = arith.constant 0 : i32
      %dma_wait3A_46 = arith.constant 0 : i32
      %dma_wait3A_47 = tpu.memref_slice %arg9[%dma_wait3A, %dma_wait3A_46] : memref<128x128xf32, #tpu.memory_space<vmem>> -> memref<104x128xf32, #tpu.memory_space<vmem>>
      %dma_wait3A_48 = arith.constant 0 : i32
      %dma_wait3A_49 = tpu.memref_slice %arg6[%add3A_20, %dma_wait3A_48] : memref<10016x128xf32, #tpu.memory_space<vmem_shared>> -> memref<104x128xf32, #tpu.memory_space<vmem_shared>>
      %dma_wait3A_50 = arith.constant 0 : i32
      %dma_wait3A_51 = tpu.memref_slice %arg6[%add3A_20, %dma_wait3A_50] : memref<10016x128xf32, #tpu.memory_space<vmem_shared>> -> memref<104x128xf32, #tpu.memory_space<vmem_shared>>
      %dma_wait3A_52 = arith.constant 0 : i32
      %dma_wait3A_53 = arith.constant 0 : i32
      %dma_wait3A_54 = tpu.memref_slice %arg9[%dma_wait3A_52, %dma_wait3A_53] : memref<128x128xf32, #tpu.memory_space<vmem>> -> memref<104x128xf32, #tpu.memory_space<vmem>>
      tpu.wait_dma2 semaphore(%run_scoped3A : memref<!tpu.dma_semaphore, #tpu.memory_space<semaphore_mem>>) src(%dma_wait3A_54 : memref<104x128xf32, #tpu.memory_space<vmem>>) dst(%dma_wait3A_51 : memref<104x128xf32, #tpu.memory_space<vmem_shared>>)
      tpu.yield
    }) : () -> ()
    %eq3A = arith.constant 15 : i32
    %eq3A_21 = arith.cmpi eq, %arg1, %eq3A : i32
    %convert_element_type3A = arith.extui %eq3A_21 : i1 to i32
    %cond3A = arith.constant 0 : i32
    %cond3A_22 = arith.cmpi ne, %convert_element_type3A, %cond3A : i32
    scf.if %cond3A_22 {
      "tpu.region"() ({
        %run_scoped3A = tpu.sem_alloc : memref<!tpu.dma_semaphore, #tpu.memory_space<semaphore_mem>>
        %dma_start3A = arith.constant 0 : i32
        %dma_start3A_37 = arith.constant 0 : i32
        %dma_start3A_38 = tpu.memref_slice %arg9[%dma_start3A, %dma_start3A_37] : memref<128x128xf32, #tpu.memory_space<vmem>> -> memref<16x128xf32, #tpu.memory_space<vmem>>
        %dma_start3A_39 = arith.constant 9984 : i32
        %dma_start3A_40 = arith.constant 0 : i32
        %dma_start3A_41 = tpu.memref_slice %arg6[%dma_start3A_39, %dma_start3A_40] : memref<10016x128xf32, #tpu.memory_space<vmem_shared>> -> memref<16x128xf32, #tpu.memory_space<vmem_shared>>
        %dma_start3A_42 = arith.constant 9984 : i32
        %dma_start3A_43 = arith.constant 0 : i32
        %dma_start3A_44 = tpu.memref_slice %arg6[%dma_start3A_42, %dma_start3A_43] : memref<10016x128xf32, #tpu.memory_space<vmem_shared>> -> memref<16x128xf32, #tpu.memory_space<vmem_shared>>
        %dma_start3A_45 = arith.constant 0 : i32
        %dma_start3A_46 = arith.constant 0 : i32
        %dma_start3A_47 = tpu.memref_slice %arg9[%dma_start3A_45, %dma_start3A_46] : memref<128x128xf32, #tpu.memory_space<vmem>> -> memref<16x128xf32, #tpu.memory_space<vmem>>
        tpu.enqueue_dma source(%dma_start3A_47 : memref<16x128xf32, #tpu.memory_space<vmem>>) target(%dma_start3A_44 : memref<16x128xf32, #tpu.memory_space<vmem_shared>>) target_semaphore(%run_scoped3A : memref<!tpu.dma_semaphore, #tpu.memory_space<semaphore_mem>>)
        %dma_wait3A = arith.constant 0 : i32
        %dma_wait3A_48 = arith.constant 0 : i32
        %dma_wait3A_49 = tpu.memref_slice %arg9[%dma_wait3A, %dma_wait3A_48] : memref<128x128xf32, #tpu.memory_space<vmem>> -> memref<16x128xf32, #tpu.memory_space<vmem>>
        %dma_wait3A_50 = arith.constant 9984 : i32
        %dma_wait3A_51 = arith.constant 0 : i32
        %dma_wait3A_52 = tpu.memref_slice %arg6[%dma_wait3A_50, %dma_wait3A_51] : memref<10016x128xf32, #tpu.memory_space<vmem_shared>> -> memref<16x128xf32, #tpu.memory_space<vmem_shared>>
        %dma_wait3A_53 = arith.constant 9984 : i32
        %dma_wait3A_54 = arith.constant 0 : i32
        %dma_wait3A_55 = tpu.memref_slice %arg6[%dma_wait3A_53, %dma_wait3A_54] : memref<10016x128xf32, #tpu.memory_space<vmem_shared>> -> memref<16x128xf32, #tpu.memory_space<vmem_shared>>
        %dma_wait3A_56 = arith.constant 0 : i32
        %dma_wait3A_57 = arith.constant 0 : i32
        %dma_wait3A_58 = tpu.memref_slice %arg9[%dma_wait3A_56, %dma_wait3A_57] : memref<128x128xf32, #tpu.memory_space<vmem>> -> memref<16x128xf32, #tpu.memory_space<vmem>>
        tpu.wait_dma2 semaphore(%run_scoped3A : memref<!tpu.dma_semaphore, #tpu.memory_space<semaphore_mem>>) src(%dma_wait3A_58 : memref<16x128xf32, #tpu.memory_space<vmem>>) dst(%dma_wait3A_55 : memref<16x128xf32, #tpu.memory_space<vmem_shared>>)
        tpu.yield
      }) : () -> ()
    } else {
    }
    %barrier3A = arith.constant 0 : index
    tpu.barrier barrier_id(%barrier3A)
    %scan3A_23 = arith.constant 0 : i32
    %scan3A_24 = arith.constant 0 : i32
    %scan3A_25 = arith.constant 80 : i32
    %scan3A_26 = arith.addi %scan3A_24, %scan3A_25 : i32
    %scan3A_27 = arith.constant 1 : i32
    scf.for %scan3A_37 = %scan3A_24 to %scan3A_26 step %scan3A_27  : i32 {
      "tpu.region"() ({
        %run_scoped3A = tpu.sem_alloc : memref<!tpu.dma_semaphore, #tpu.memory_space<semaphore_mem>>
        %dma_start3A = arith.constant 0 : i32
        %dma_start3A_38 = tpu.memref_slice %arg3[%add3A, %scan3A_37, %dma_start3A] : memref<32x80x128xi32, #tpu.memory_space<hbm>> -> memref<1x1x128xi32, #tpu.memory_space<hbm>>
        %dma_start3A_39 = tpu.memref_squeeze %dma_start3A_38 : memref<1x1x128xi32, #tpu.memory_space<hbm>> -> memref<128xi32, #tpu.memory_space<hbm>>
        %dma_start3A_40 = arith.constant 0 : i32
        %dma_start3A_41 = tpu.memref_slice %arg3[%add3A, %scan3A_37, %dma_start3A_40] : memref<32x80x128xi32, #tpu.memory_space<hbm>> -> memref<1x1x128xi32, #tpu.memory_space<hbm>>
        %dma_start3A_42 = tpu.memref_squeeze %dma_start3A_41 : memref<1x1x128xi32, #tpu.memory_space<hbm>> -> memref<128xi32, #tpu.memory_space<hbm>>
        tpu.enqueue_dma source(%dma_start3A_42 : memref<128xi32, #tpu.memory_space<hbm>>) target(%arg7 : memref<128xi32, #tpu.memory_space<vmem>>) target_semaphore(%run_scoped3A : memref<!tpu.dma_semaphore, #tpu.memory_space<semaphore_mem>>)
        %dma_wait3A = arith.constant 0 : i32
        %dma_wait3A_43 = tpu.memref_slice %arg3[%add3A, %scan3A_37, %dma_wait3A] : memref<32x80x128xi32, #tpu.memory_space<hbm>> -> memref<1x1x128xi32, #tpu.memory_space<hbm>>
        %dma_wait3A_44 = tpu.memref_squeeze %dma_wait3A_43 : memref<1x1x128xi32, #tpu.memory_space<hbm>> -> memref<128xi32, #tpu.memory_space<hbm>>
        %dma_wait3A_45 = arith.constant 0 : i32
        %dma_wait3A_46 = tpu.memref_slice %arg3[%add3A, %scan3A_37, %dma_wait3A_45] : memref<32x80x128xi32, #tpu.memory_space<hbm>> -> memref<1x1x128xi32, #tpu.memory_space<hbm>>
        %dma_wait3A_47 = tpu.memref_squeeze %dma_wait3A_46 : memref<1x1x128xi32, #tpu.memory_space<hbm>> -> memref<128xi32, #tpu.memory_space<hbm>>
        tpu.wait_dma2 semaphore(%run_scoped3A : memref<!tpu.dma_semaphore, #tpu.memory_space<semaphore_mem>>) src(%dma_wait3A_47 : memref<128xi32, #tpu.memory_space<hbm>>) dst(%arg7 : memref<128xi32, #tpu.memory_space<vmem>>)
        tpu.yield
      }) : () -> ()
      "tpu.region"() ({
        %run_scoped3A = tpu.sem_alloc : memref<!tpu.dma_semaphore, #tpu.memory_space<semaphore_mem>>
        %dma_start3A = arith.constant 0 : i32
        %dma_start3A_38 = tpu.memref_slice %arg4[%add3A, %scan3A_37, %dma_start3A] : memref<32x80x128xi32, #tpu.memory_space<hbm>> -> memref<1x1x128xi32, #tpu.memory_space<hbm>>
        %dma_start3A_39 = tpu.memref_squeeze %dma_start3A_38 : memref<1x1x128xi32, #tpu.memory_space<hbm>> -> memref<128xi32, #tpu.memory_space<hbm>>
        %dma_start3A_40 = arith.constant 0 : i32
        %dma_start3A_41 = tpu.memref_slice %arg4[%add3A, %scan3A_37, %dma_start3A_40] : memref<32x80x128xi32, #tpu.memory_space<hbm>> -> memref<1x1x128xi32, #tpu.memory_space<hbm>>
        %dma_start3A_42 = tpu.memref_squeeze %dma_start3A_41 : memref<1x1x128xi32, #tpu.memory_space<hbm>> -> memref<128xi32, #tpu.memory_space<hbm>>
        tpu.enqueue_dma source(%dma_start3A_42 : memref<128xi32, #tpu.memory_space<hbm>>) target(%arg8 : memref<128xi32, #tpu.memory_space<vmem>>) target_semaphore(%run_scoped3A : memref<!tpu.dma_semaphore, #tpu.memory_space<semaphore_mem>>)
        %dma_wait3A = arith.constant 0 : i32
        %dma_wait3A_43 = tpu.memref_slice %arg4[%add3A, %scan3A_37, %dma_wait3A] : memref<32x80x128xi32, #tpu.memory_space<hbm>> -> memref<1x1x128xi32, #tpu.memory_space<hbm>>
        %dma_wait3A_44 = tpu.memref_squeeze %dma_wait3A_43 : memref<1x1x128xi32, #tpu.memory_space<hbm>> -> memref<128xi32, #tpu.memory_space<hbm>>
        %dma_wait3A_45 = arith.constant 0 : i32
        %dma_wait3A_46 = tpu.memref_slice %arg4[%add3A, %scan3A_37, %dma_wait3A_45] : memref<32x80x128xi32, #tpu.memory_space<hbm>> -> memref<1x1x128xi32, #tpu.memory_space<hbm>>
        %dma_wait3A_47 = tpu.memref_squeeze %dma_wait3A_46 : memref<1x1x128xi32, #tpu.memory_space<hbm>> -> memref<128xi32, #tpu.memory_space<hbm>>
        tpu.wait_dma2 semaphore(%run_scoped3A : memref<!tpu.dma_semaphore, #tpu.memory_space<semaphore_mem>>) src(%dma_wait3A_47 : memref<128xi32, #tpu.memory_space<hbm>>) dst(%arg8 : memref<128xi32, #tpu.memory_space<vmem>>)
        tpu.yield
      }) : () -> ()
      "tpu.region"() ({
        %run_scoped3A = tpu.sem_alloc : memref<!tpu.dma_semaphore, #tpu.memory_space<semaphore_mem>>
        %dma_start3A = arith.constant 0 : i32
        %dma_start3A_38 = arith.constant 0 : i32
        %dma_start3A_39 = tpu.memref_slice %arg2[%dma_start3A, %dma_start3A_38] : memref<10008x128xf32, #tpu.memory_space<hbm>> -> memref<10008x128xf32, #tpu.memory_space<hbm>>
        tpu.enqueue_indirect_dma source(%dma_start3A_39 : memref<10008x128xf32, #tpu.memory_space<hbm>>) target(%arg9 : memref<128x128xf32, #tpu.memory_space<vmem>>) offsets(%arg7 : memref<128xi32, #tpu.memory_space<vmem>>) semaphore(%run_scoped3A : memref<!tpu.dma_semaphore, #tpu.memory_space<semaphore_mem>>)
        %dma_wait3A = arith.constant 0 : i32
        %dma_wait3A_40 = arith.constant 0 : i32
        %dma_wait3A_41 = tpu.memref_slice %arg2[%dma_wait3A, %dma_wait3A_40] : memref<10008x128xf32, #tpu.memory_space<hbm>> -> memref<10008x128xf32, #tpu.memory_space<hbm>>
        tpu.wait_indirect_dma semaphore(%run_scoped3A : memref<!tpu.dma_semaphore, #tpu.memory_space<semaphore_mem>>) src(%dma_wait3A_41 : memref<10008x128xf32, #tpu.memory_space<hbm>>) dst(%arg9 : memref<128x128xf32, #tpu.memory_space<vmem>>)
        tpu.yield
      }) : () -> ()
      "tpu.region"() ({
        %run_scoped3A = tpu.sem_alloc : memref<!tpu.dma_semaphore, #tpu.memory_space<semaphore_mem>>
        %dma_start3A = arith.constant 0 : i32
        %dma_start3A_38 = arith.constant 0 : i32
        %dma_start3A_39 = tpu.memref_slice %arg6[%dma_start3A, %dma_start3A_38] : memref<10016x128xf32, #tpu.memory_space<vmem_shared>> -> memref<10016x128xf32, #tpu.memory_space<vmem_shared>>
        tpu.enqueue_indirect_dma source(%arg9 : memref<128x128xf32, #tpu.memory_space<vmem>>) target(%dma_start3A_39 : memref<10016x128xf32, #tpu.memory_space<vmem_shared>>) offsets(%arg8 : memref<128xi32, #tpu.memory_space<vmem>>) semaphore(%run_scoped3A : memref<!tpu.dma_semaphore, #tpu.memory_space<semaphore_mem>>) {add = true}
        %dma_wait3A = arith.constant 0 : i32
        %dma_wait3A_40 = arith.constant 0 : i32
        %dma_wait3A_41 = tpu.memref_slice %arg6[%dma_wait3A, %dma_wait3A_40] : memref<10016x128xf32, #tpu.memory_space<vmem_shared>> -> memref<10016x128xf32, #tpu.memory_space<vmem_shared>>
        tpu.wait_indirect_dma semaphore(%run_scoped3A : memref<!tpu.dma_semaphore, #tpu.memory_space<semaphore_mem>>) src(%arg9 : memref<128x128xf32, #tpu.memory_space<vmem>>) dst(%dma_wait3A_41 : memref<10016x128xf32, #tpu.memory_space<vmem_shared>>)
        tpu.yield
      }) : () -> ()
    }
    %scan3A_28 = arith.constant 80 : i32
    %barrier3A_29 = arith.constant 0 : index
    tpu.barrier barrier_id(%barrier3A_29)
    %mul3A_30 = arith.constant 624 : i32
    %mul3A_31 = arith.muli %arg1, %mul3A_30 : i32
    "tpu.region"() ({
      %run_scoped3A = tpu.sem_alloc : memref<!tpu.dma_semaphore, #tpu.memory_space<semaphore_mem>>
      %dma_start3A = arith.constant 0 : i32
      %dma_start3A_37 = tpu.memref_slice %arg5[%arg0, %mul3A_31, %dma_start3A] : memref<2x10000x128xf32, #tpu.memory_space<hbm>> -> memref<1x624x128xf32, #tpu.memory_space<hbm>>
      %dma_start3A_38 = tpu.memref_squeeze %dma_start3A_37 : memref<1x624x128xf32, #tpu.memory_space<hbm>> -> memref<624x128xf32, #tpu.memory_space<hbm>>
      %dma_start3A_39 = arith.constant 0 : i32
      %dma_start3A_40 = tpu.memref_slice %arg6[%mul3A_31, %dma_start3A_39] : memref<10016x128xf32, #tpu.memory_space<vmem_shared>> -> memref<624x128xf32, #tpu.memory_space<vmem_shared>>
      tpu.enqueue_dma source(%dma_start3A_40 : memref<624x128xf32, #tpu.memory_space<vmem_shared>>) target(%dma_start3A_38 : memref<624x128xf32, #tpu.memory_space<hbm>>) target_semaphore(%run_scoped3A : memref<!tpu.dma_semaphore, #tpu.memory_space<semaphore_mem>>)
      %dma_wait3A = arith.constant 0 : i32
      %dma_wait3A_41 = tpu.memref_slice %arg5[%arg0, %mul3A_31, %dma_wait3A] : memref<2x10000x128xf32, #tpu.memory_space<hbm>> -> memref<1x624x128xf32, #tpu.memory_space<hbm>>
      %dma_wait3A_42 = tpu.memref_squeeze %dma_wait3A_41 : memref<1x624x128xf32, #tpu.memory_space<hbm>> -> memref<624x128xf32, #tpu.memory_space<hbm>>
      %dma_wait3A_43 = arith.constant 0 : i32
      %dma_wait3A_44 = tpu.memref_slice %arg6[%mul3A_31, %dma_wait3A_43] : memref<10016x128xf32, #tpu.memory_space<vmem_shared>> -> memref<624x128xf32, #tpu.memory_space<vmem_shared>>
      tpu.wait_dma2 semaphore(%run_scoped3A : memref<!tpu.dma_semaphore, #tpu.memory_space<semaphore_mem>>) src(%dma_wait3A_44 : memref<624x128xf32, #tpu.memory_space<vmem_shared>>) dst(%dma_wait3A_42 : memref<624x128xf32, #tpu.memory_space<hbm>>)
      tpu.yield
    }) : () -> ()
    %eq3A_32 = arith.constant 15 : i32
    %eq3A_33 = arith.cmpi eq, %arg1, %eq3A_32 : i32
    %convert_element_type3A_34 = arith.extui %eq3A_33 : i1 to i32
    %cond3A_35 = arith.constant 0 : i32
    %cond3A_36 = arith.cmpi ne, %convert_element_type3A_34, %cond3A_35 : i32
    scf.if %cond3A_36 {
      "tpu.region"() ({
        %run_scoped3A = tpu.sem_alloc : memref<!tpu.dma_semaphore, #tpu.memory_space<semaphore_mem>>
        %dma_start3A = arith.constant 9984 : i32
        %dma_start3A_37 = arith.constant 0 : i32
        %dma_start3A_38 = tpu.memref_slice %arg5[%arg0, %dma_start3A, %dma_start3A_37] : memref<2x10000x128xf32, #tpu.memory_space<hbm>> -> memref<1x16x128xf32, #tpu.memory_space<hbm>>
        %dma_start3A_39 = tpu.memref_squeeze %dma_start3A_38 : memref<1x16x128xf32, #tpu.memory_space<hbm>> -> memref<16x128xf32, #tpu.memory_space<hbm>>
        %dma_start3A_40 = arith.constant 9984 : i32
        %dma_start3A_41 = arith.constant 0 : i32
        %dma_start3A_42 = tpu.memref_slice %arg6[%dma_start3A_40, %dma_start3A_41] : memref<10016x128xf32, #tpu.memory_space<vmem_shared>> -> memref<16x128xf32, #tpu.memory_space<vmem_shared>>
        tpu.enqueue_dma source(%dma_start3A_42 : memref<16x128xf32, #tpu.memory_space<vmem_shared>>) target(%dma_start3A_39 : memref<16x128xf32, #tpu.memory_space<hbm>>) target_semaphore(%run_scoped3A : memref<!tpu.dma_semaphore, #tpu.memory_space<semaphore_mem>>)
        %dma_wait3A = arith.constant 9984 : i32
        %dma_wait3A_43 = arith.constant 0 : i32
        %dma_wait3A_44 = tpu.memref_slice %arg5[%arg0, %dma_wait3A, %dma_wait3A_43] : memref<2x10000x128xf32, #tpu.memory_space<hbm>> -> memref<1x16x128xf32, #tpu.memory_space<hbm>>
        %dma_wait3A_45 = tpu.memref_squeeze %dma_wait3A_44 : memref<1x16x128xf32, #tpu.memory_space<hbm>> -> memref<16x128xf32, #tpu.memory_space<hbm>>
        %dma_wait3A_46 = arith.constant 9984 : i32
        %dma_wait3A_47 = arith.constant 0 : i32
        %dma_wait3A_48 = tpu.memref_slice %arg6[%dma_wait3A_46, %dma_wait3A_47] : memref<10016x128xf32, #tpu.memory_space<vmem_shared>> -> memref<16x128xf32, #tpu.memory_space<vmem_shared>>
        tpu.wait_dma2 semaphore(%run_scoped3A : memref<!tpu.dma_semaphore, #tpu.memory_space<semaphore_mem>>) src(%dma_wait3A_48 : memref<16x128xf32, #tpu.memory_space<vmem_shared>>) dst(%dma_wait3A_45 : memref<16x128xf32, #tpu.memory_space<hbm>>)
        tpu.yield
      }) : () -> ()
    } else {
    }
    return
  }
}

module attributes {stable_mosaic.version = 14 : i64} {
  func.func @body(%arg0: i32, %arg1: memref<1000x128xf32, #tpu.memory_space<vmem>>, %arg2: memref<2x1000x128xf32, #tpu.memory_space<vmem>>, %arg3: memref<2x1000x128xf32, #tpu.memory_space<vmem>>, %arg4: memref<128x128xf32, #tpu.memory_space<vmem>>, %arg5: memref<128x128xf32, #tpu.memory_space<vmem>>, %arg6: memref<1x128xf32, #tpu.memory_space<vmem>>, %arg7: memref<1000x128xf32, #tpu.memory_space<vmem>>) attributes {dimension_semantics = [#tpu.dimension_semantics<arbitrary>], iteration_bounds = array<i64: 10>, scalar_prefetch = 0 : i64, scratch_operands = 0 : i64, tpu.core_type = #tpu.core_type<tc>, window_params = [{transform_indices = @transform_0, window_bounds = array<i64: 1000, 128>}, {transform_indices = @transform_1, window_bounds = array<i64: 2, 1000, 128>}, {transform_indices = @transform_2, window_bounds = array<i64: 2, 1000, 128>}, {pipeline_mode = #tpu.pipeline_mode<synchronous>, transform_indices = @transform_3, window_bounds = array<i64: 128, 128>}, {pipeline_mode = #tpu.pipeline_mode<synchronous>, transform_indices = @transform_4, window_bounds = array<i64: 128, 128>}, {pipeline_mode = #tpu.pipeline_mode<synchronous>, transform_indices = @transform_5, window_bounds = array<i64: 1, 128>}, {transform_indices = @transform_6, window_bounds = array<i64: 1000, 128>}]} {
    %get3A = arith.constant 0 : index
    %get3A_0 = arith.constant 0 : index
    %get3A_1 = arith.constant 0 : index
    %get3A_2 = vector.load %arg2[%get3A, %get3A_0, %get3A_1] : memref<2x1000x128xf32, #tpu.memory_space<vmem>>, vector<1x1000x128xf32>
    %get3A_3 = vector.shape_cast %get3A_2 : vector<1x1000x128xf32> to vector<1000x128xf32>
    %get3A_4 = arith.constant 1 : index
    %get3A_5 = arith.constant 0 : index
    %get3A_6 = arith.constant 0 : index
    %get3A_7 = vector.load %arg2[%get3A_4, %get3A_5, %get3A_6] : memref<2x1000x128xf32, #tpu.memory_space<vmem>>, vector<1x1000x128xf32>
    %get3A_8 = vector.shape_cast %get3A_7 : vector<1x1000x128xf32> to vector<1000x128xf32>
    %add3A = arith.addf %get3A_3, %get3A_8 : vector<1000x128xf32>
    %get3A_9 = arith.constant 0 : index
    %get3A_10 = arith.constant 0 : index
    %get3A_11 = arith.constant 0 : index
    %get3A_12 = vector.load %arg3[%get3A_9, %get3A_10, %get3A_11] : memref<2x1000x128xf32, #tpu.memory_space<vmem>>, vector<1x1000x1xf32>
    %get3A_13 = vector.shape_cast %get3A_12 : vector<1x1000x1xf32> to vector<1000x1xf32>
    %get3A_14 = arith.constant 1 : index
    %get3A_15 = arith.constant 0 : index
    %get3A_16 = arith.constant 0 : index
    %get3A_17 = vector.load %arg3[%get3A_14, %get3A_15, %get3A_16] : memref<2x1000x128xf32, #tpu.memory_space<vmem>>, vector<1x1000x1xf32>
    %get3A_18 = vector.shape_cast %get3A_17 : vector<1x1000x1xf32> to vector<1000x1xf32>
    %add3A_19 = arith.addf %get3A_13, %get3A_18 : vector<1000x1xf32>
    %max3A = arith.constant 1.000000e+00 : f32
    %max3A_20 = vector.broadcast %max3A : f32 to vector<1000x1xf32>
    %max3A_21 = arith.maximumf %add3A_19, %max3A_20 : vector<1000x1xf32>
    %div3A = vector.broadcast %max3A_21 : vector<1000x1xf32> to vector<1000x128xf32>
    %div3A_22 = arith.divf %add3A, %div3A : vector<1000x128xf32>
    %get3A_23 = arith.constant 0 : index
    %get3A_24 = arith.constant 0 : index
    %get3A_25 = vector.load %arg1[%get3A_23, %get3A_24] : memref<1000x128xf32, #tpu.memory_space<vmem>>, vector<1000x128xf32>
    %get3A_26 = arith.constant 0 : index
    %get3A_27 = arith.constant 0 : index
    %get3A_28 = vector.load %arg4[%get3A_26, %get3A_27] : memref<128x128xf32, #tpu.memory_space<vmem>>, vector<128x128xf32>
    %dot_general3A = arith.constant dense<0.000000e+00> : vector<1000x128xf32>
    %dot_general3A_29 = tpu.matmul %get3A_25, %get3A_28, %dot_general3A {dimension_numbers = #tpu.dot_dimension_numbers<[1], [0], [0], [1], [0, 0, 1, 1], [], []>, transpose_lhs_hint = false} : vector<1000x128xf32>, vector<128x128xf32>, vector<1000x128xf32> -> vector<1000x128xf32>
    %get3A_30 = arith.constant 0 : index
    %get3A_31 = arith.constant 0 : index
    %get3A_32 = vector.load %arg5[%get3A_30, %get3A_31] : memref<128x128xf32, #tpu.memory_space<vmem>>, vector<128x128xf32>
    %dot_general3A_33 = arith.constant dense<0.000000e+00> : vector<1000x128xf32>
    %dot_general3A_34 = tpu.matmul %div3A_22, %get3A_32, %dot_general3A_33 {dimension_numbers = #tpu.dot_dimension_numbers<[1], [0], [0], [1], [0, 0, 1, 1], [], []>, transpose_lhs_hint = false} : vector<1000x128xf32>, vector<128x128xf32>, vector<1000x128xf32> -> vector<1000x128xf32>
    %add3A_35 = arith.addf %dot_general3A_29, %dot_general3A_34 : vector<1000x128xf32>
    %get3A_36 = arith.constant 0 : index
    %get3A_37 = arith.constant 0 : index
    %get3A_38 = vector.load %arg6[%get3A_36, %get3A_37] : memref<1x128xf32, #tpu.memory_space<vmem>>, vector<1x128xf32>
    %add3A_39 = vector.broadcast %get3A_38 : vector<1x128xf32> to vector<1000x128xf32>
    %add3A_40 = arith.addf %add3A_35, %add3A_39 : vector<1000x128xf32>
    %max3A_41 = arith.constant 0.000000e+00 : f32
    %max3A_42 = vector.broadcast %max3A_41 : f32 to vector<1000x128xf32>
    %max3A_43 = arith.maximumf %add3A_40, %max3A_42 : vector<1000x128xf32>
    %swap3A = arith.constant 0 : index
    %swap3A_44 = arith.constant 0 : index
    %swap3A_45 = vector.load %arg7[%swap3A, %swap3A_44] : memref<1000x128xf32, #tpu.memory_space<vmem>>, vector<1000x128xf32>
    tpu.vector_store %arg7[%swap3A, %swap3A_44], %max3A_43 {strides = array<i32>} : memref<1000x128xf32, #tpu.memory_space<vmem>>, vector<1000x128xf32>,
    return
  }
  func.func @transform_0(%arg0: i32) -> (i32, i32) {
    %c0_i32 = arith.constant 0 : i32
    %c0_i32_0 = arith.constant 0 : i32
    return %arg0, %c0_i32 : i32, i32
  }
  func.func @transform_1(%arg0: i32) -> (i32, i32, i32) {
    %c0_i32 = arith.constant 0 : i32
    %c0_i32_0 = arith.constant 0 : i32
    %c0_i32_1 = arith.constant 0 : i32
    return %c0_i32, %arg0, %c0_i32_0 : i32, i32, i32
  }
  func.func @transform_2(%arg0: i32) -> (i32, i32, i32) {
    %c0_i32 = arith.constant 0 : i32
    %c0_i32_0 = arith.constant 0 : i32
    %c0_i32_1 = arith.constant 0 : i32
    return %c0_i32, %arg0, %c0_i32_0 : i32, i32, i32
  }
  func.func @transform_3(%arg0: i32) -> (i32, i32) {
    %c0_i32 = arith.constant 0 : i32
    %c0_i32_0 = arith.constant 0 : i32
    %c0_i32_1 = arith.constant 0 : i32
    return %c0_i32, %c0_i32_0 : i32, i32
  }
  func.func @transform_4(%arg0: i32) -> (i32, i32) {
    %c0_i32 = arith.constant 0 : i32
    %c0_i32_0 = arith.constant 0 : i32
    %c0_i32_1 = arith.constant 0 : i32
    return %c0_i32, %c0_i32_0 : i32, i32
  }
  func.func @transform_5(%arg0: i32) -> (i32, i32) {
    %c0_i32 = arith.constant 0 : i32
    %c0_i32_0 = arith.constant 0 : i32
    %c0_i32_1 = arith.constant 0 : i32
    return %c0_i32, %c0_i32_0 : i32, i32
  }
  func.func @transform_6(%arg0: i32) -> (i32, i32) {
    %c0_i32 = arith.constant 0 : i32
    %c0_i32_0 = arith.constant 0 : i32
    return %arg0, %c0_i32 : i32, i32
  }
}

module attributes {stable_mosaic.version = 14 : i64} {
  func.func @body(%arg0: i32, %arg1: memref<1000x128xf32, #tpu.memory_space<vmem>>, %arg2: memref<2x1000x128xf32, #tpu.memory_space<vmem>>, %arg3: memref<2x1000x128xf32, #tpu.memory_space<vmem>>, %arg4: memref<128x128xf32, #tpu.memory_space<vmem>>, %arg5: memref<128x128xf32, #tpu.memory_space<vmem>>, %arg6: memref<1x128xf32, #tpu.memory_space<vmem>>, %arg7: memref<128x128xf32, #tpu.memory_space<vmem>>, %arg8: memref<1x128xf32, #tpu.memory_space<vmem>>, %arg9: memref<128x128xf32, #tpu.memory_space<vmem>>, %arg10: memref<1x128xf32, #tpu.memory_space<vmem>>, %arg11: memref<1000x128xf32, #tpu.memory_space<vmem>>) attributes {dimension_semantics = [#tpu.dimension_semantics<arbitrary>], iteration_bounds = array<i64: 10>, scalar_prefetch = 0 : i64, scratch_operands = 0 : i64, tpu.core_type = #tpu.core_type<tc>, window_params = [{transform_indices = @transform_0, window_bounds = array<i64: 1000, 128>}, {transform_indices = @transform_1, window_bounds = array<i64: 2, 1000, 128>}, {transform_indices = @transform_2, window_bounds = array<i64: 2, 1000, 128>}, {pipeline_mode = #tpu.pipeline_mode<synchronous>, transform_indices = @transform_3, window_bounds = array<i64: 128, 128>}, {pipeline_mode = #tpu.pipeline_mode<synchronous>, transform_indices = @transform_4, window_bounds = array<i64: 128, 128>}, {pipeline_mode = #tpu.pipeline_mode<synchronous>, transform_indices = @transform_5, window_bounds = array<i64: 1, 128>}, {pipeline_mode = #tpu.pipeline_mode<synchronous>, transform_indices = @transform_6, window_bounds = array<i64: 128, 128>}, {pipeline_mode = #tpu.pipeline_mode<synchronous>, transform_indices = @transform_7, window_bounds = array<i64: 1, 128>}, {pipeline_mode = #tpu.pipeline_mode<synchronous>, transform_indices = @transform_8, window_bounds = array<i64: 128, 128>}, {pipeline_mode = #tpu.pipeline_mode<synchronous>, transform_indices = @transform_9, window_bounds = array<i64: 1, 128>}, {transform_indices = @transform_10, window_bounds = array<i64: 1000, 128>}]} {
    %get3A = arith.constant 0 : index
    %get3A_0 = arith.constant 0 : index
    %get3A_1 = arith.constant 0 : index
    %get3A_2 = vector.load %arg2[%get3A, %get3A_0, %get3A_1] : memref<2x1000x128xf32, #tpu.memory_space<vmem>>, vector<1x1000x128xf32>
    %get3A_3 = vector.shape_cast %get3A_2 : vector<1x1000x128xf32> to vector<1000x128xf32>
    %get3A_4 = arith.constant 1 : index
    %get3A_5 = arith.constant 0 : index
    %get3A_6 = arith.constant 0 : index
    %get3A_7 = vector.load %arg2[%get3A_4, %get3A_5, %get3A_6] : memref<2x1000x128xf32, #tpu.memory_space<vmem>>, vector<1x1000x128xf32>
    %get3A_8 = vector.shape_cast %get3A_7 : vector<1x1000x128xf32> to vector<1000x128xf32>
    %add3A = arith.addf %get3A_3, %get3A_8 : vector<1000x128xf32>
    %get3A_9 = arith.constant 0 : index
    %get3A_10 = arith.constant 0 : index
    %get3A_11 = arith.constant 0 : index
    %get3A_12 = vector.load %arg3[%get3A_9, %get3A_10, %get3A_11] : memref<2x1000x128xf32, #tpu.memory_space<vmem>>, vector<1x1000x1xf32>
    %get3A_13 = vector.shape_cast %get3A_12 : vector<1x1000x1xf32> to vector<1000x1xf32>
    %get3A_14 = arith.constant 1 : index
    %get3A_15 = arith.constant 0 : index
    %get3A_16 = arith.constant 0 : index
    %get3A_17 = vector.load %arg3[%get3A_14, %get3A_15, %get3A_16] : memref<2x1000x128xf32, #tpu.memory_space<vmem>>, vector<1x1000x1xf32>
    %get3A_18 = vector.shape_cast %get3A_17 : vector<1x1000x1xf32> to vector<1000x1xf32>
    %add3A_19 = arith.addf %get3A_13, %get3A_18 : vector<1000x1xf32>
    %max3A = arith.constant 1.000000e+00 : f32
    %max3A_20 = vector.broadcast %max3A : f32 to vector<1000x1xf32>
    %max3A_21 = arith.maximumf %add3A_19, %max3A_20 : vector<1000x1xf32>
    %div3A = vector.broadcast %max3A_21 : vector<1000x1xf32> to vector<1000x128xf32>
    %div3A_22 = arith.divf %add3A, %div3A : vector<1000x128xf32>
    %get3A_23 = arith.constant 0 : index
    %get3A_24 = arith.constant 0 : index
    %get3A_25 = vector.load %arg1[%get3A_23, %get3A_24] : memref<1000x128xf32, #tpu.memory_space<vmem>>, vector<1000x128xf32>
    %get3A_26 = arith.constant 0 : index
    %get3A_27 = arith.constant 0 : index
    %get3A_28 = vector.load %arg4[%get3A_26, %get3A_27] : memref<128x128xf32, #tpu.memory_space<vmem>>, vector<128x128xf32>
    %dot_general3A = arith.constant dense<0.000000e+00> : vector<1000x128xf32>
    %dot_general3A_29 = tpu.matmul %get3A_25, %get3A_28, %dot_general3A {dimension_numbers = #tpu.dot_dimension_numbers<[1], [0], [0], [1], [0, 0, 1, 1], [], []>, transpose_lhs_hint = false} : vector<1000x128xf32>, vector<128x128xf32>, vector<1000x128xf32> -> vector<1000x128xf32>
    %get3A_30 = arith.constant 0 : index
    %get3A_31 = arith.constant 0 : index
    %get3A_32 = vector.load %arg5[%get3A_30, %get3A_31] : memref<128x128xf32, #tpu.memory_space<vmem>>, vector<128x128xf32>
    %dot_general3A_33 = arith.constant dense<0.000000e+00> : vector<1000x128xf32>
    %dot_general3A_34 = tpu.matmul %div3A_22, %get3A_32, %dot_general3A_33 {dimension_numbers = #tpu.dot_dimension_numbers<[1], [0], [0], [1], [0, 0, 1, 1], [], []>, transpose_lhs_hint = false} : vector<1000x128xf32>, vector<128x128xf32>, vector<1000x128xf32> -> vector<1000x128xf32>
    %add3A_35 = arith.addf %dot_general3A_29, %dot_general3A_34 : vector<1000x128xf32>
    %get3A_36 = arith.constant 0 : index
    %get3A_37 = arith.constant 0 : index
    %get3A_38 = vector.load %arg6[%get3A_36, %get3A_37] : memref<1x128xf32, #tpu.memory_space<vmem>>, vector<1x128xf32>
    %add3A_39 = vector.broadcast %get3A_38 : vector<1x128xf32> to vector<1000x128xf32>
    %add3A_40 = arith.addf %add3A_35, %add3A_39 : vector<1000x128xf32>
    %get3A_41 = arith.constant 0 : index
    %get3A_42 = arith.constant 0 : index
    %get3A_43 = vector.load %arg7[%get3A_41, %get3A_42] : memref<128x128xf32, #tpu.memory_space<vmem>>, vector<128x128xf32>
    %dot_general3A_44 = arith.constant dense<0.000000e+00> : vector<1000x128xf32>
    %dot_general3A_45 = tpu.matmul %add3A_40, %get3A_43, %dot_general3A_44 {dimension_numbers = #tpu.dot_dimension_numbers<[1], [0], [0], [1], [0, 0, 1, 1], [], []>, transpose_lhs_hint = false} : vector<1000x128xf32>, vector<128x128xf32>, vector<1000x128xf32> -> vector<1000x128xf32>
    %get3A_46 = arith.constant 0 : index
    %get3A_47 = arith.constant 0 : index
    %get3A_48 = vector.load %arg8[%get3A_46, %get3A_47] : memref<1x128xf32, #tpu.memory_space<vmem>>, vector<1x128xf32>
    %add3A_49 = vector.broadcast %get3A_48 : vector<1x128xf32> to vector<1000x128xf32>
    %add3A_50 = arith.addf %dot_general3A_45, %add3A_49 : vector<1000x128xf32>
    %max3A_51 = arith.constant 0.000000e+00 : f32
    %max3A_52 = vector.broadcast %max3A_51 : f32 to vector<1000x128xf32>
    %max3A_53 = arith.maximumf %add3A_50, %max3A_52 : vector<1000x128xf32>
    %get3A_54 = arith.constant 0 : index
    %get3A_55 = arith.constant 0 : index
    %get3A_56 = vector.load %arg9[%get3A_54, %get3A_55] : memref<128x128xf32, #tpu.memory_space<vmem>>, vector<128x128xf32>
    %dot_general3A_57 = arith.constant dense<0.000000e+00> : vector<1000x128xf32>
    %dot_general3A_58 = tpu.matmul %max3A_53, %get3A_56, %dot_general3A_57 {dimension_numbers = #tpu.dot_dimension_numbers<[1], [0], [0], [1], [0, 0, 1, 1], [], []>, transpose_lhs_hint = false} : vector<1000x128xf32>, vector<128x128xf32>, vector<1000x128xf32> -> vector<1000x128xf32>
    %get3A_59 = arith.constant 0 : index
    %get3A_60 = arith.constant 0 : index
    %get3A_61 = vector.load %arg10[%get3A_59, %get3A_60] : memref<1x128xf32, #tpu.memory_space<vmem>>, vector<1x128xf32>
    %add3A_62 = vector.broadcast %get3A_61 : vector<1x128xf32> to vector<1000x128xf32>
    %add3A_63 = arith.addf %dot_general3A_58, %add3A_62 : vector<1000x128xf32>
    %swap3A = arith.constant 0 : index
    %swap3A_64 = arith.constant 0 : index
    %swap3A_65 = vector.load %arg11[%swap3A, %swap3A_64] : memref<1000x128xf32, #tpu.memory_space<vmem>>, vector<1000x128xf32>
    tpu.vector_store %arg11[%swap3A, %swap3A_64], %add3A_63 {strides = array<i32>} : memref<1000x128xf32, #tpu.memory_space<vmem>>, vector<1000x128xf32>,
    return
  }
  func.func @transform_0(%arg0: i32) -> (i32, i32) {
    %c0_i32 = arith.constant 0 : i32
    %c0_i32_0 = arith.constant 0 : i32
    return %arg0, %c0_i32 : i32, i32
  }
  func.func @transform_1(%arg0: i32) -> (i32, i32, i32) {
    %c0_i32 = arith.constant 0 : i32
    %c0_i32_0 = arith.constant 0 : i32
    %c0_i32_1 = arith.constant 0 : i32
    return %c0_i32, %arg0, %c0_i32_0 : i32, i32, i32
  }
  func.func @transform_2(%arg0: i32) -> (i32, i32, i32) {
    %c0_i32 = arith.constant 0 : i32
    %c0_i32_0 = arith.constant 0 : i32
    %c0_i32_1 = arith.constant 0 : i32
    return %c0_i32, %arg0, %c0_i32_0 : i32, i32, i32
  }
  func.func @transform_3(%arg0: i32) -> (i32, i32) {
    %c0_i32 = arith.constant 0 : i32
    %c0_i32_0 = arith.constant 0 : i32
    %c0_i32_1 = arith.constant 0 : i32
    return %c0_i32, %c0_i32_0 : i32, i32
  }
  func.func @transform_4(%arg0: i32) -> (i32, i32) {
    %c0_i32 = arith.constant 0 : i32
    %c0_i32_0 = arith.constant 0 : i32
    %c0_i32_1 = arith.constant 0 : i32
    return %c0_i32, %c0_i32_0 : i32, i32
  }
  func.func @transform_5(%arg0: i32) -> (i32, i32) {
    %c0_i32 = arith.constant 0 : i32
    %c0_i32_0 = arith.constant 0 : i32
    %c0_i32_1 = arith.constant 0 : i32
    return %c0_i32, %c0_i32_0 : i32, i32
  }
  func.func @transform_6(%arg0: i32) -> (i32, i32) {
    %c0_i32 = arith.constant 0 : i32
    %c0_i32_0 = arith.constant 0 : i32
    %c0_i32_1 = arith.constant 0 : i32
    return %c0_i32, %c0_i32_0 : i32, i32
  }
  func.func @transform_7(%arg0: i32) -> (i32, i32) {
    %c0_i32 = arith.constant 0 : i32
    %c0_i32_0 = arith.constant 0 : i32
    %c0_i32_1 = arith.constant 0 : i32
    return %c0_i32, %c0_i32_0 : i32, i32
  }
  func.func @transform_8(%arg0: i32) -> (i32, i32) {
    %c0_i32 = arith.constant 0 : i32
    %c0_i32_0 = arith.constant 0 : i32
    %c0_i32_1 = arith.constant 0 : i32
    return %c0_i32, %c0_i32_0 : i32, i32
  }
  func.func @transform_9(%arg0: i32) -> (i32, i32) {
    %c0_i32 = arith.constant 0 : i32
    %c0_i32_0 = arith.constant 0 : i32
    %c0_i32_1 = arith.constant 0 : i32
    return %c0_i32, %c0_i32_0 : i32, i32
  }
  func.func @transform_10(%arg0: i32) -> (i32, i32) {
    %c0_i32 = arith.constant 0 : i32
    %c0_i32_0 = arith.constant 0 : i32
    return %arg0, %c0_i32 : i32, i32
  }
}

</mosaic_0001>

<sc_bundles>
// kernel: kernel.10.cloned.1.call-start
scs
__scs_entry_jumppad:
0x0: {  	(pc) =	sbr.rel $0x88, $3  }
0x1: {  	(tag) =	ssettag $0x0;
	lr =	simm.s32 $0x1  }
0x2: {  	[smem:$0x3F95] =	sst lr;
	_ =	strace $0xD0000000  }
0x3: {  	_ = 	snop  }
0x4: {  	_ = 	snop  }
0x5: {  	_ = 	snop  }
0x6: {  	_ = 	snop  }
0x7: {  	_ = 	snop  }
__scs_overlays_trampoline_lowered:
0x8: {  	[smem:$0x3FA4] =	sst s0  }
0x9: {  	[smem:$0x3FA5] =	sst s1  }
0xa: {  	[smem:$0x3FA6] =	sst s2  }
0xb: {  	[smem:$0x3FA7] =	sst s3  }
0xc: {  	[smem:$0x3FA8] =	sst s4  }
0xd: {  	[smem:$0x3FA9] =	sst s5  }
0xe: {  	[smem:$0x3FAA] =	sst s6  }
0xf: {  	[smem:$0x3FAB] =	sst s7  }
0x10: {  	[smem:$0x3FAC] =	sst s8  }
0x11: {  	[smem:$0x3FAD] =	sst s9;
	s0 =	simm.s32 @!p0 $0x0  }
0x12: {  	s1 =	sld [smem:$0x3F93];
	s0 =	simm.s32 @p0 $0x1  }
0x13: {  	[smem:$0x3FAE] =	sst s0;
	s0 =	simm.s32 @!p1 $0x0  }
0x14: {  	s2 =	sld [smem:$0x3F92];
	s0 =	simm.s32 @p1 $0x1  }
0x15: {  	[smem:$0x3FAF] =	sst s0;
	s0 =	simm.s32 @!p2 $0x0  }
0x16: {  	s3 =	sld [smem:$0x3FDB];
	s0 =	simm.s32 @p2 $0x1  }
0x17: {  	s4 =	simm.s32 $0x1BF5;
	[smem:$0x3FB1] =	sst s0  }
0x18: {  	s0 =	sld [smem:$0x3F94];
	_ =	swait.ge [sflag:s4], $0x0  }
0x19: {  	s7 =	sld [smem:$0x3F95]  }
0x1a: {  	s8 =	sadd.s32 $0xFFFFE003, lr  }
0x1b: {  	s9 =	sadd.s32 $0xFFFFFEF7, lr;
	s5 =	simm.s32 $0xFFFFFFFF;
	p2 =	slt.u32 s8, $0xFFFFF086  }
0x1c: {  	p1 =	slt.u32 s9, $0xF7A;
	s5 =	simm.s32 @!p2 $0x0  }
0x1d: {  	s5 =	simm.s32 @p1 $0x1;
	p0 =	seq.s32 s7, s2  }
0x1e: {  	s7 =	smul.u32 @!p0 $0xF7A, s2;
	p2 =	seq.s32 @!p0 s5, $0x0  }
0x1f: {  	s9 =	smul.u32 $0xF7A, s1;
	s8 =	simm.s32 @!p0 $0x1BF5;
	p2 =	por !p2, p0  }
0x20: {  	[sflag:s8] =	ssyncset.s32 @!p0 $0xFFFFF086;
	s6 =	sadd.s32 @!p0 s3, s7;
	s7 =	simm.s32 @!p0 $0x108  }
0x21: {  	s3 =	sadd.s32 s3, s9;
	s6 =	sadd.s32 @!p0 $0x88, s6;
	s7 =	simm.s32 @p2 $0x1082  }
0x22: {  	[simem:s7], [sflag:s8] =	dma.local @!p0 [hbm:s6], $0xF7A  }
0x23: {  	s9 =	sor.u32 $0xD0000000, s2;
	s6 =	simm.s32 $0x108;
	_ =	swait.ge @!p0 [sflag:s8], $0x0  }
0x24: {  	s3 =	sadd.s32 $0x88, s3;
	s6 =	simm.s32 @!p1 $0x1082;
	[sflag:s4] =	ssyncset.s32 $0xFFFFF086  }
0x25: {  	[simem:s6], [sflag:s4] =	dma.local [hbm:s3], $0xF7A  }
0x26: {  	[smem:$0x3F95] =	sst s1;
	(tag) =	ssettag s2;
	_ =	strace s9  }
0x27: {  	s1 =	sld [smem:$0x3FA5]  }
0x28: {  	s2 =	sld [smem:$0x3FA6]  }
0x29: {  	s4 =	sld [smem:$0x3FA8]  }
0x2a: {  	p0 =	seq.s32 s5, $0x0;
	s5 =	sld [smem:$0x3FA9]  }
0x2b: {  	s6 =	sld [smem:$0x3FAA]  }
0x2c: {  	s7 =	sld [smem:$0x3FAB]  }
0x2d: {  	s3 =	simm.s32 $0x108;
	s8 =	sld [smem:$0x3FAC]  }
0x2e: {  	s3 =	simm.s32 @!p0 $0x1082;
	s9 =	sld [smem:$0x3FAD]  }
0x2f: {  	lr =	sadd.s32 s0, s3;
	s0 =	sld [smem:$0x3FA4]  }
0x30: {  	s3 =	sld [smem:$0x3FA7]  }
0x31: {  	[smem:$0x3FB0] =	sst s10  }
0x32: {  	s10 =	sld [smem:$0x3FAE];
	_ =	sdelay $0x3  }
0x33: {  	p0 =	seq.s32 s10, $0x1;
	s10 =	sld [smem:$0x3FB0];
	_ =	sdelay $0x3  }
0x34: {  	[smem:$0x3FB0] =	sst s10  }
0x35: {  	s10 =	sld [smem:$0x3FAF];
	_ =	sdelay $0x3  }
0x36: {  	p1 =	seq.s32 s10, $0x1;
	s10 =	sld [smem:$0x3FB0];
	_ =	sdelay $0x3  }
0x37: {  	[smem:$0x3FB0] =	sst s10  }
0x38: {  	s10 =	sld [smem:$0x3FB1]  }
0x39: {  	_ = 	snop;
	(pc) =	sbr.ind lr, $3  }
0x3a: {  	_ = 	snop  }
0x3b: {  	_ = 	snop  }
0x3c: {  	p2 =	seq.s32 s10, $0x1;
	s10 =	sld [smem:$0x3FB0]  }
0x3d: {  	_ =	shalt  }
0x3e: {  	_ =	shalt  }
0x3f: {  	_ =	shalt  }
0x40: {  	_ =	shalt  }
0x41: {  	_ =	shalt  }
0x42: {  	_ =	shalt  }
0x43: {  	_ =	shalt  }
0x44: {  	_ =	shalt  }
0x45: {  	_ =	shalt  }
0x46: {  	_ =	shalt  }
0x47: {  	_ =	shalt  }
0x48: {  	_ =	shalt  }
0x49: {  	_ =	shalt  }
0x4a: {  	_ =	shalt  }
0x4b: {  	_ =	shalt  }
0x4c: {  	_ =	shalt  }
0x4d: {  	_ =	shalt  }
0x4e: {  	_ =	shalt  }
0x4f: {  	_ =	shalt  }
0x50: {  	_ =	shalt  }
0x51: {  	_ =	shalt  }
0x52: {  	_ =	shalt  }
0x53: {  	_ =	shalt  }
0x54: {  	_ =	shalt  }
0x55: {  	_ =	shalt  }
0x56: {  	_ =	shalt  }
0x57: {  	_ =	shalt  }
0x58: {  	_ =	shalt  }
0x59: {  	_ =	shalt  }
0x5a: {  	_ =	shalt  }
0x5b: {  	_ =	shalt  }
0x5c: {  	_ =	shalt  }
0x5d: {  	_ =	shalt  }
0x5e: {  	_ =	shalt  }
0x5f: {  	_ =	shalt  }
0x60: {  	_ =	shalt  }
0x61: {  	_ =	shalt  }
0x62: {  	_ =	shalt  }
0x63: {  	_ =	shalt  }
0x64: {  	_ =	shalt  }
0x65: {  	_ =	shalt  }
0x66: {  	_ =	shalt  }
0x67: {  	_ =	shalt  }
0x68: {  	_ =	shalt  }
0x69: {  	_ =	shalt  }
0x6a: {  	_ =	shalt  }
0x6b: {  	_ =	shalt  }
0x6c: {  	_ =	shalt  }
0x6d: {  	_ =	shalt  }
0x6e: {  	_ =	shalt  }
0x6f: {  	_ =	shalt  }
0x70: {  	_ =	shalt  }
0x71: {  	_ =	shalt  }
0x72: {  	_ =	shalt  }
0x73: {  	_ =	shalt  }
0x74: {  	_ =	shalt  }
0x75: {  	_ =	shalt  }
0x76: {  	_ =	shalt  }
0x77: {  	_ =	shalt  }
0x78: {  	_ =	shalt  }
0x79: {  	_ =	shalt  }
0x7a: {  	_ =	shalt  }
0x7b: {  	_ =	shalt  }
0x7c: {  	_ =	shalt  }
0x7d: {  	_ =	shalt  }
0x7e: {  	_ =	shalt  }
0x7f: {  	_ =	shalt  }
0x80: {  	_ =	shalt  }
0x81: {  	_ =	shalt  }
0x82: {  	_ =	shalt  }
0x83: {  	_ =	shalt  }
0x84: {  	_ =	shalt  }
0x85: {  	_ =	shalt  }
0x86: {  	_ =	shalt  }
0x87: {  	_ =	shalt  }
.Lfunc_end0:
.L_simem_size_0:
called_computation.1_lowered:
.L_overlay_start_0:
0x88: {  	s2 =	sld [smem:$0x3FD9]  }
0x89: {  	s3 =	sld [smem:$0x3FFE];
	_ =	sdelay $0x1  }
0x8a: {  	s1 =	srdreg.scid  }
0x8b: {  	s0 =	sand.u32 $0x1, s1  }
0x8c: {  	s16 =	sshll.u32 s0, $0xA;
	s2 =	sadd.s32 s3, s2  }
0x8d: {  	s2 =	sadd.s32 s2, s16  }
0x8e: {  	[smem:$0x3FBC] =	sst s2  }
0x8f: {  	_ = 	snop  }
0x90: {  	(tm) =	ssettm $0x1  }
0x91: {  	s17 =	sld [smem:$0x3FFB];
	_ =	sdelay $0x3  }
0x92: {  	_ =	strace s17  }
0x93: {  	s2 =	sld [smem:$0x3FFC];
	_ =	sdelay $0x3  }
0x94: {  	_ =	strace s2  }
0x95: {  	s2 =	sld [smem:$0x3FFD];
	_ =	sdelay $0x3  }
0x96: {  	_ =	strace s2  }
0x97: {  	_ =	strace $0x8FFFFFFF  }
0x98: {  	s18 =	sld [smem:$0x3FDB];
	_ =	sdelay $0x1  }
0x99: {  	s19 =	simm.s32 $_scs_section_size  }
0x9a: {  	s4 =	simm.s32 $_size__tile_overlayer_lowered;
	s5 =	simm.s32 $_tile_overlayer_lowered  }
0x9b: {  	s22 =	simm.s32 $0x1BFF;
	s21 =	sshll.u32 s5, $0x1;
	s2 =	sadd.s32 s19, s18  }
0x9c: {  	s6 =	simm.s32 $0x0;
	s20 =	sshll.u32 s4, $0x1;
	s4 =	sadd.s32 s21, s2  }
0x9d: {  	[timem:s6], [sflag:s22] =	dma.local [hbm:s4], s20  }
0x9e: {  	_ =	swait.ge [sflag:s22], s20  }
0x9f: {  	s3 =	ssub.s32 $0x0, s20;
	[sflag:s22] =	ssyncset.done $0x0  }
0xa0: {  	[sflag:s22] =	ssyncadd.s32 s3;
	_ =	sdelay $0x1  }
0xa1: {  	s23 =	simm.s32 $0x1B8B  }
0xa2: {  	_ =	swait.ge [sflag:s23], $0x1  }
0xa3: {  	[sflag:s23] =	ssyncset.done $0x0  }
0xa4: {  	s25 =	simm.s32 $0x1B8E;
	s24 =	sld [smem:$0x3FFE];
	[sflag:s23] =	ssyncadd.s32 $0xFFFFFFFF  }
0xa5: {  	s26 =	simm.s32 $execute0_lowered;
	[smem:$0x3FD2] =	sst s25  }
0xa6: {  	s4 =	sshll.u32 s26, $0x1;
	_ =	strace $0x80000046;
	[dreg:$0x1] =	wrdreg $0xFFFFFFFF  }
0xa7: {  	s28 =	simm.s32 $_size_execute0_lowered;
	s2 =	sadd.s32 s2, s4;
	[dreg:$0x0] =	wrdreg $0x0  }
0xa8: {  	s4 =	sshll.u32 s28, $0x1;
	[dreg:$0x2] =	wrdreg s2  }
0xa9: {  	[dreg:$0x3] =	wrdreg s4  }
0xaa: {  	[dreg:$0x4] =	wrdreg $0xC0  }
0xab: {  	_ =	task [dreg:s6], $0x5FFFF  }
0xac: {  	[dreg:$0x1] =	wrdreg $0xFFFFFFFF  }
0xad: {  	[dreg:$0x0] =	wrdreg $0x60  }
0xae: {  	[dreg:$0x2] =	wrdreg s24  }
0xaf: {  	[dreg:$0x3] =	wrdreg $0x0  }
0xb0: {  	[dreg:$0x4] =	wrdreg $0xA  }
0xb1: {  	_ =	task.clear_ibuf [dreg:s6], $0x5FFFF;
	_ =	strace $0x90000046  }
0xb2: {  	s29 =	simm.s32 $0xA;
	_ =	strace $0x80000048  }
0xb3: {  	_ =	swait.ge [sflag:s29], $0x1  }
0xb4: {  	[sflag:s29] =	ssyncadd.s32 $0xFFFFFFFF  }
0xb5: {  	_ =	strace $0x90000048  }
0xb6: {  	_ =	sfence  }
0xb7: {  	s30 =	sld [smem:$0x0];
	_ =	sdelay $0x2  }
0xb8: {  	s31 =	sshll.u32 s1, $0xD;
	s1 =	sshrl.u32 s1, $0x2  }
0xb9: {  	s3 =	sand.u32 $0x4000, s31;
	s1 =	sadd.s32 s1, s30  }
0xba: {  	s0 =	sor.u32 s3, s0;
	s1 =	sshll.u32 s1, $0x11  }
0xbb: {  	s0 =	sor.u32 s1, s0  }
0xbc: {  	s0 =	sadd.s32 $0x8F2B, s0  }
0xbd: {  	[sflag:s0] =	ssyncadd.remote.s32 $0x1  }
0xbe: {  	_ =	sfence.sel $0xFFFF  }
0xbf: {  	[dreg:$0x0] =	wrdreg $0xFFFFFFFF;
	(pc) =	sbr.abs _section_cstart, $3  }
0xc0: {  	[dreg:$0x1] =	wrdreg $0xFFFFFFFF  }
0xc1: {  	_ =	task.clear_ibuf [dreg:s6], $0x2FFFF;
	_ =	strace $0x9FFFFFFF  }
0xc2: {  	(tm) =	ssettm $0x7FFFFFFF  }
0xc3: {  	_ =	shalt  }
tec
execute0_lowered:
.L_overlay_start_1:
0x0: {  	(tag) =	ssettag $0x1  }
0x1: {  	s7 =	rddreg [dreg:$0x0]  }
0x2: {  	s1 =	rddreg [dreg:$0x1]  }
0x3: {  	s0 =	rddreg [dreg:$0x2];
	s2 =	simm.s32 $0x0;
	s3 =	srdreg.scid  }
0x4: {  	s20 =	simm.s32 $0x13900;
	s21 =	simm.s32 $0x13980;
	s22 =	simm.s32 $0x80  }
0x5: {  	s23 =	simm.s32 $0x0;
	[smem:$0x7FF] =	sst s2;
	s8 =	sand.u32 $0x1, s3  }
0x6: {  	s4 =	sadd.s32 $0xBC00, s7;
	s3 =	stileid.u32;
	s5 =	sadd.s32 $0x1C00, s7  }
0x7: {  	s6 =	sadd.s32 $0x3CE00, s7;
	s16 =	sadd.s32 $0x46E00, s7;
	s11 =	smul.u32 $0x4E000, s3  }
0x8: {  	_ =	strace $0x80000047;
	s9 =	ssub.s32 $0x2, s8;
	s14 =	smul.u32 $0x138800, s8  }
0x9: {  	s30 =	sshll.u32 s8, $0x4;
	s13 =	smul.u32 $0x13800, s3;
	s10 =	sshrl.u32 s9, $0x1  }
0xa: {  	p0 =	sne.s32 s3, $0xF;
	s15 =	sor.u32 s3, s30;
	s17 =	ssub.s32 s9, s10  }
0xb: {  	s31 =	sshrl.u32 s11, $0x2;
	s18 =	sadd.s32 s13, s14;
	s13 =	sadd.s32 $0x138000, s1  }
0xc: {  	s19 =	sshrl.u32 s14, $0x3;
	s14 =	smul.u32 $0x2800, s15;
	s7 =	sadd.s32 s31, s1  }
0xd: {  	s18 =	sshrl.u32 s18, $0x3;
	s17 =	smax.u32 s17, $0x1;
	s8 =	sadd.s32 $0x3400, s7  }
0xe: {  	s9 =	sadd.s32 $0x6800, s7;
	s10 =	sadd.s32 $0x9C00, s7;
	s11 =	sadd.s32 $0xD000, s7  }
0xf: {  	s12 =	sadd.s32 $0x10400, s7;
	s15 =	sadd.s32 s16, s18;
	s16 =	sadd.s32 s16, s19  }
0x10: {  	v0 =	vimm.f32 $0.0e+00;
	s18 =	simm.s32 $0x13A00;
	s19 =	simm.s32 $0x1;
	s16 =	sadd.s32 $0x27000, s16  }
.LBB2_1:
0x11: {  	s24 =	simm.s32 $0x0;
	s25 =	simm.s32 $0x200  }
.LBB2_2:
0x12: {  	p1 =	sne.s32 s25, $0xFE00;
	[tilespmem:s24+$0x13A70] =	vst v0  }
0x13: {  	[tilespmem:s24+$0x13A00] =	vst v0  }
0x14: {  	[tilespmem:s24+$0x13A10] =	vst v0  }
.Ltmp0:
0x15: {  	[tilespmem:s24+$0x13A20] =	vst v0;
	(pc) =	sbr.rel @p1 .LBB2_2-.Ltmp0, $4  }
0x16: {  	[tilespmem:s24+$0x13A30] =	vst v0  }
0x17: {  	[tilespmem:s24+$0x13A40] =	vst v0  }
0x18: {  	[tilespmem:s24+$0x13A50] =	vst v0  }
0x19: {  	[tilespmem:s24+$0x13A60] =	vst v0;
	s24 =	sshra.s32 s25, $0x2;
	s25 =	sadd.s32 $0x200, s25  }
0x1a: {  	[tilespmem:s24+$0x13A70] =	vst v0  }
0x1b: {  	[tilespmem:s24+$0x13A00] =	vst v0  }
0x1c: {  	[tilespmem:s24+$0x13A10] =	vst v0  }
0x1d: {  	[tilespmem:s24+$0x13A20] =	vst v0  }
0x1e: {  	[tilespmem:s24+$0x13A30] =	vst v0  }
0x1f: {  	[tilespmem:s24+$0x13A40] =	vst v0  }
0x20: {  	[tilespmem:s24+$0x13A50] =	vst v0  }
0x21: {  	[tilespmem:s24+$0x13A60] =	vst v0  }
0x22: {  	[spmem:s7] =	stream.linear.scatter [tilespmem:s18], [sflag:$0x1], $0x3400, $0x38;
	[tilespmem:$0x17A00] =	vst v63  }
0x23: {  	_ =	swait.ge [sflag:s19], $0x3400  }
0x24: {  	[sflag:s19] =	ssyncset.done $0x0  }
0x25: {  	[sflag:s19] =	ssyncadd.s32 $0xFFFFCC00  }
0x26: {  	[spmem:s8] =	stream.linear.scatter [tilespmem:s18], [sflag:$0x1], $0x3400, $0x38;
	[tilespmem:$0x17A00] =	vst v63  }
0x27: {  	_ =	swait.ge [sflag:s19], $0x3400  }
0x28: {  	[sflag:s19] =	ssyncset.done $0x0  }
0x29: {  	[sflag:s19] =	ssyncadd.s32 $0xFFFFCC00  }
0x2a: {  	[spmem:s9] =	stream.linear.scatter [tilespmem:s18], [sflag:$0x1], $0x3400, $0x38;
	[tilespmem:$0x17A00] =	vst v63  }
0x2b: {  	_ =	swait.ge [sflag:s19], $0x3400  }
0x2c: {  	[sflag:s19] =	ssyncset.done $0x0  }
0x2d: {  	[sflag:s19] =	ssyncadd.s32 $0xFFFFCC00  }
0x2e: {  	[spmem:s10] =	stream.linear.scatter [tilespmem:s18], [sflag:$0x1], $0x3400, $0x38;
	[tilespmem:$0x17A00] =	vst v63  }
0x2f: {  	_ =	swait.ge [sflag:s19], $0x3400  }
0x30: {  	[sflag:s19] =	ssyncset.done $0x0  }
0x31: {  	[sflag:s19] =	ssyncadd.s32 $0xFFFFCC00  }
0x32: {  	[spmem:s11] =	stream.linear.scatter [tilespmem:s18], [sflag:$0x1], $0x3400, $0x38;
	[tilespmem:$0x17A00] =	vst v63  }
0x33: {  	_ =	swait.ge [sflag:s19], $0x3400  }
0x34: {  	[sflag:s19] =	ssyncset.done $0x0  }
0x35: {  	[sflag:s19] =	ssyncadd.s32 $0xFFFFCC00  }
0x36: {  	[spmem:s12] =	stream.linear.scatter [tilespmem:s18], [sflag:$0x1], $0x3400, $0x38;
	[tilespmem:$0x17A00] =	vst v63  }
0x37: {  	_ =	swait.ge [sflag:s19], $0x3400  }
0x38: {  	s24 =	simm.s32 @!p0 $0x13A00;
	s31 =	simm.s32 $0x0;
	[sflag:s19] =	ssyncset.done $0x0  }
0x39: {  	s25 =	simm.s32 @!p0 $0x1;
	s26 =	sand.u32 $0x3C00, s31;
	[sflag:s19] =	ssyncadd.s32 $0xFFFFCC00  }
0x3a: {  	[spmem:s13] =	stream.linear.scatter @!p0 [tilespmem:s24], [sflag:$0x1], $0x800, $0x38;
	[tilespmem:$0x17A00] =	vst v63  }
0x3b: {  	s26 =	sadd.s32 s14, s26;
	s24 =	sand.u32 $0x380, s31;
	_ =	swait.ge @!p0 [sflag:s25], $0x800  }
0x3c: {  	s24 =	sor.u32 s24, s26;
	[sflag:s25] =	ssyncset.done @!p0 $0x0  }
0x3d: {  	s24 =	sshrl.u32 s24, $0x3;
	[sflag:s25] =	ssyncadd.s32 @!p0 $0xFFFFF800  }
0x3e: {  	s28 =	sadd.s32 s5, s24;
	[bflag:$0x0] =	sbarrier.arrive $0xFFFF  }
0x3f: {  	[tilespmem:s20], [sflag:$0x1] =	stream.linear.gather [hbm4b:s28+s2], $0x80, $0x38;
	[tilespmem:$0x17A00] =	vst v63  }
0x40: {  	_ =	swait.ge [sflag:s19], $0x80  }
0x41: {  	[sflag:s19] =	ssyncset.done $0x0  }
0x42: {  	s24 =	sadd.s32 s6, s24;
	[sflag:s19] =	ssyncadd.s32 $0xFFFFFF80  }
0x43: {  	[tilespmem:s21], [sflag:$0x1] =	stream.linear.gather [hbm4b:s24+s2], $0x80, $0x38;
	[tilespmem:$0x17A00] =	vst v63  }
0x44: {  	_ =	swait.ge [sflag:s19], $0x80  }
0x45: {  	[sflag:s19] =	ssyncset.done $0x0  }
0x46: {  	[sflag:s19] =	ssyncadd.s32 $0xFFFFFF80  }
0x47: {  	[tilespmem:s18], [sflag:$0x1] =	stream.indirect.gather [hbm4b:s4+s22], $0x80, s20, s22, $0xb8;
	[tilespmem:$0x17A00] =	vst v63  }
0x48: {  	_ =	swait.ge [sflag:s19], $0x4000  }
0x49: {  	s29 =	simm.s32 $0x80;
	[sflag:s19] =	ssyncset.done $0x0  }
0x4a: {  	s30 =	sand.u32 $0x3C00, s29;
	[sflag:s19] =	ssyncadd.s32 $0xFFFFC000  }
0x4b: {  	[spmem:s1] =	stream.indirect.scatter.add.f32 [tilespmem:s18], [sflag:$0x1], $0x80, s21, s22, $0xb8;
	[tilespmem:$0x17A00] =	vst v63  }
0x4c: {  	s31 =	sand.u32 $0x380, s29;
	s25 =	sadd.s32 s14, s30;
	_ =	swait.ge [sflag:s19], $0x4000  }
0x4d: {  	s25 =	sor.u32 s31, s25;
	s24 =	simm.s32 $0x100;
	[sflag:s19] =	ssyncset.done $0x0  }
.LBB2_4:
0x4e: {  	s25 =	sshrl.u32 s25, $0x3  }
0x4f: {  	[sflag:s19] =	ssyncadd.s32 $0xFFFFC000;
	s26 =	smov.u32 s24;
	s28 =	sadd.s32 $0x80, s24  }
0x50: {  	p1 =	sne.s32 s24, $0x2780;
	s24 =	sadd.s32 s5, s25  }
0x51: {  	[tilespmem:s20], [sflag:$0x1] =	stream.linear.gather [hbm4b:s24+s2], $0x80, $0x38;
	[tilespmem:$0x17A00] =	vst v63  }
0x52: {  	_ =	swait.ge [sflag:s19], $0x80  }
0x53: {  	[sflag:s19] =	ssyncset.done $0x0  }
0x54: {  	s24 =	sadd.s32 s6, s25;
	[sflag:s19] =	ssyncadd.s32 $0xFFFFFF80  }
0x55: {  	[tilespmem:s21], [sflag:$0x1] =	stream.linear.gather [hbm4b:s24+s2], $0x80, $0x38;
	[tilespmem:$0x17A00] =	vst v63  }
0x56: {  	_ =	swait.ge [sflag:s19], $0x80  }
0x57: {  	[sflag:s19] =	ssyncset.done $0x0  }
0x58: {  	[sflag:s19] =	ssyncadd.s32 $0xFFFFFF80  }
0x59: {  	[tilespmem:s18], [sflag:$0x1] =	stream.indirect.gather [hbm4b:s4+s22], $0x80, s20, s22, $0xb8;
	[tilespmem:$0x17A00] =	vst v63  }
0x5a: {  	_ =	swait.ge [sflag:s19], $0x4000  }
.Ltmp1:
0x5b: {  	[sflag:s19] =	ssyncset.done $0x0;
	(pc) =	sbr.rel @p1 .LBB2_4-.Ltmp1, $4  }
0x5c: {  	s24 =	sand.u32 $0x3C00, s26;
	[sflag:s19] =	ssyncadd.s32 $0xFFFFC000  }
0x5d: {  	[spmem:s1] =	stream.indirect.scatter.add.f32 [tilespmem:s18], [sflag:$0x1], $0x80, s21, s22, $0xb8;
	[tilespmem:$0x17A00] =	vst v63  }
0x5e: {  	s25 =	sand.u32 $0x380, s26;
	s24 =	sadd.s32 s14, s24;
	_ =	swait.ge [sflag:s19], $0x4000  }
0x5f: {  	s25 =	sor.u32 s25, s24;
	s24 =	smov.u32 s28;
	[sflag:s19] =	ssyncset.done $0x0  }
0x60: {  	s24 =	sshrl.u32 s25, $0x3  }
0x61: {  	[sflag:s19] =	ssyncadd.s32 $0xFFFFC000;
	s25 =	sadd.s32 s5, s24  }
0x62: {  	[tilespmem:s20], [sflag:$0x1] =	stream.linear.gather [hbm4b:s25+s2], $0x80, $0x38;
	[tilespmem:$0x17A00] =	vst v63  }
0x63: {  	_ =	swait.ge [sflag:s19], $0x80  }
0x64: {  	[sflag:s19] =	ssyncset.done $0x0  }
0x65: {  	s24 =	sadd.s32 s6, s24;
	[sflag:s19] =	ssyncadd.s32 $0xFFFFFF80  }
0x66: {  	[tilespmem:s21], [sflag:$0x1] =	stream.linear.gather [hbm4b:s24+s2], $0x80, $0x38;
	[tilespmem:$0x17A00] =	vst v63  }
0x67: {  	_ =	swait.ge [sflag:s19], $0x80  }
0x68: {  	[sflag:s19] =	ssyncset.done $0x0  }
0x69: {  	[sflag:s19] =	ssyncadd.s32 $0xFFFFFF80  }
0x6a: {  	[tilespmem:s18], [sflag:$0x1] =	stream.indirect.gather [hbm4b:s4+s22], $0x80, s20, s22, $0xb8;
	[tilespmem:$0x17A00] =	vst v63  }
0x6b: {  	_ =	swait.ge [sflag:s19], $0x4000  }
0x6c: {  	[sflag:s19] =	ssyncset.done $0x0  }
0x6d: {  	[sflag:s19] =	ssyncadd.s32 $0xFFFFC000  }
0x6e: {  	[spmem:s1] =	stream.indirect.scatter.add.f32 [tilespmem:s18], [sflag:$0x1], $0x80, s21, s22, $0xb8;
	[tilespmem:$0x17A00] =	vst v63  }
0x6f: {  	_ =	swait.ge [sflag:s19], $0x4000  }
0x70: {  	[sflag:s19] =	ssyncset.done $0x0  }
0x71: {  	s30 =	sshll.u32 s3, $0x6;
	[sflag:s19] =	ssyncadd.s32 $0xFFFFC000  }
0x72: {  	s31 =	sshrl.u32 s7, $0x3;
	s24 =	sor.u32 $0x1C01, s30;
	[bflag:$0x0] =	sbarrier.arrive $0xFFFF  }
0x73: {  	[hbm:s15], [sflag:s24] =	dma.local [spmem:s31], $0x2700  }
0x74: {  	_ =	swait.ge [sflag:s19], $0x2700  }
0x75: {  	s23 =	sadd.s32 $0x1, s23;
	[sflag:s19] =	ssyncset.done $0x0  }
0x76: {  	p1 =	sne.s32 s23, s17;
	s25 =	sshrl.u32 @!p0 s13, $0x3;
	[sflag:s19] =	ssyncadd.s32 $0xFFFFD900  }
0x77: {  	[hbm:s16], [sflag:s24] =	dma.local @!p0 [spmem:s25], $0x100  }
.Ltmp2:
0x78: {  	_ = 	snop;
	(pc) =	sbr.rel @p1 .LBB2_1-.Ltmp2, $4  }
0x79: {  	s24 =	simm.s32 @!p0 $0x1  }
0x7a: {  	_ =	swait.ge @!p0 [sflag:s24], $0x100  }
0x7b: {  	[sflag:s24] =	ssyncset.done @!p0 $0x0  }
0x7c: {  	[sflag:s24] =	ssyncadd.s32 @!p0 $0xFFFFFF00  }
0x7d: {  	_ =	sfence.sel $0x180000  }
0x7e: {  	[bflag:$0x0] =	sbarrier.arrive $0xFFFF  }
0x7f: {  	p0 =	sne.s32 s3, $0x0;
	_ =	strace $0x90000047  }
0x80: {  	s0 =	sadd.s32 @!p0 $0x100000, s0;
	[bflag:$0x2] =	sbarrier.arrive $0xFFFF  }
0x81: {  	[sflag:s0] =	ssyncadd.tile.s32 @!p0 $0x1;
	_ =	shalt  }
.Lfunc_end2:
_tile_overlayer_lowered:
.L_overlay_start_2:
0x82: {  	(tag) =	ssettag $0x2  }
0x83: {  	s0 =	rddreg [dreg:$0x0];
	s2 =	stileid.u32  }
0x84: {  	s1 =	rddreg [dreg:$0x1];
	p0 =	sne.s32 s2, $0x0  }
0x85: {  	s3 =	rddreg [dreg:$0x2];
	[bflag:$0x3] =	sbarrier.arrive $0xFFFF;
	s2 =	simm.s32 @!p0 $0x1C01  }
0x86: {  	[timem:s3], [sflag:s2] =	dma.local @!p0 [hbm:s0], s1  }
0x87: {  	s0 =	simm.s32 @!p0 $0x1  }
0x88: {  	_ =	swait.ge @!p0 [sflag:s0], s1  }
0x89: {  	s1 =	ssub.s32 @!p0 $0x0, s1;
	[sflag:s0] =	ssyncset.done @!p0 $0x0  }
0x8a: {  	[sflag:s0] =	ssyncadd.s32 @!p0 s1  }
0x8b: {  	[bflag:$0x3] =	sbarrier.arrive $0xFFFF  }
0x8c: {  	_ =	shalt  }

// kernel: kernel.13.cloned.1.call-start
scs
__scs_entry_jumppad:
0x0: {  	(pc) =	sbr.rel $0x88, $3  }
0x1: {  	(tag) =	ssettag $0x0;
	lr =	simm.s32 $0x1  }
0x2: {  	[smem:$0x3F95] =	sst lr;
	_ =	strace $0xD0000000  }
0x3: {  	_ = 	snop  }
0x4: {  	_ = 	snop  }
0x5: {  	_ = 	snop  }
0x6: {  	_ = 	snop  }
0x7: {  	_ = 	snop  }
__scs_overlays_trampoline_lowered:
0x8: {  	[smem:$0x3FA4] =	sst s0  }
0x9: {  	[smem:$0x3FA5] =	sst s1  }
0xa: {  	[smem:$0x3FA6] =	sst s2  }
0xb: {  	[smem:$0x3FA7] =	sst s3  }
0xc: {  	[smem:$0x3FA8] =	sst s4  }
0xd: {  	[smem:$0x3FA9] =	sst s5  }
0xe: {  	[smem:$0x3FAA] =	sst s6  }
0xf: {  	[smem:$0x3FAB] =	sst s7  }
0x10: {  	[smem:$0x3FAC] =	sst s8  }
0x11: {  	[smem:$0x3FAD] =	sst s9;
	s0 =	simm.s32 @!p0 $0x0  }
0x12: {  	s1 =	sld [smem:$0x3F93];
	s0 =	simm.s32 @p0 $0x1  }
0x13: {  	[smem:$0x3FAE] =	sst s0;
	s0 =	simm.s32 @!p1 $0x0  }
0x14: {  	s2 =	sld [smem:$0x3F92];
	s0 =	simm.s32 @p1 $0x1  }
0x15: {  	[smem:$0x3FAF] =	sst s0;
	s0 =	simm.s32 @!p2 $0x0  }
0x16: {  	s3 =	sld [smem:$0x3FDB];
	s0 =	simm.s32 @p2 $0x1  }
0x17: {  	s4 =	simm.s32 $0x1BF5;
	[smem:$0x3FB1] =	sst s0  }
0x18: {  	s0 =	sld [smem:$0x3F94];
	_ =	swait.ge [sflag:s4], $0x0  }
0x19: {  	s7 =	sld [smem:$0x3F95]  }
0x1a: {  	s8 =	sadd.s32 $0xFFFFE003, lr  }
0x1b: {  	s9 =	sadd.s32 $0xFFFFFEF7, lr;
	s5 =	simm.s32 $0xFFFFFFFF;
	p2 =	slt.u32 s8, $0xFFFFF086  }
0x1c: {  	p1 =	slt.u32 s9, $0xF7A;
	s5 =	simm.s32 @!p2 $0x0  }
0x1d: {  	s5 =	simm.s32 @p1 $0x1;
	p0 =	seq.s32 s7, s2  }
0x1e: {  	s7 =	smul.u32 @!p0 $0xF7A, s2;
	p2 =	seq.s32 @!p0 s5, $0x0  }
0x1f: {  	s9 =	smul.u32 $0xF7A, s1;
	s8 =	simm.s32 @!p0 $0x1BF5;
	p2 =	por !p2, p0  }
0x20: {  	[sflag:s8] =	ssyncset.s32 @!p0 $0xFFFFF086;
	s6 =	sadd.s32 @!p0 s3, s7;
	s7 =	simm.s32 @!p0 $0x108  }
0x21: {  	s3 =	sadd.s32 s3, s9;
	s6 =	sadd.s32 @!p0 $0x88, s6;
	s7 =	simm.s32 @p2 $0x1082  }
0x22: {  	[simem:s7], [sflag:s8] =	dma.local @!p0 [hbm:s6], $0xF7A  }
0x23: {  	s9 =	sor.u32 $0xD0000000, s2;
	s6 =	simm.s32 $0x108;
	_ =	swait.ge @!p0 [sflag:s8], $0x0  }
0x24: {  	s3 =	sadd.s32 $0x88, s3;
	s6 =	simm.s32 @!p1 $0x1082;
	[sflag:s4] =	ssyncset.s32 $0xFFFFF086  }
0x25: {  	[simem:s6], [sflag:s4] =	dma.local [hbm:s3], $0xF7A  }
0x26: {  	[smem:$0x3F95] =	sst s1;
	(tag) =	ssettag s2;
	_ =	strace s9  }
0x27: {  	s1 =	sld [smem:$0x3FA5]  }
0x28: {  	s2 =	sld [smem:$0x3FA6]  }
0x29: {  	s4 =	sld [smem:$0x3FA8]  }
0x2a: {  	p0 =	seq.s32 s5, $0x0;
	s5 =	sld [smem:$0x3FA9]  }
0x2b: {  	s6 =	sld [smem:$0x3FAA]  }
0x2c: {  	s7 =	sld [smem:$0x3FAB]  }
0x2d: {  	s3 =	simm.s32 $0x108;
	s8 =	sld [smem:$0x3FAC]  }
0x2e: {  	s3 =	simm.s32 @!p0 $0x1082;
	s9 =	sld [smem:$0x3FAD]  }
0x2f: {  	lr =	sadd.s32 s0, s3;
	s0 =	sld [smem:$0x3FA4]  }
0x30: {  	s3 =	sld [smem:$0x3FA7]  }
0x31: {  	[smem:$0x3FB0] =	sst s10  }
0x32: {  	s10 =	sld [smem:$0x3FAE];
	_ =	sdelay $0x3  }
0x33: {  	p0 =	seq.s32 s10, $0x1;
	s10 =	sld [smem:$0x3FB0];
	_ =	sdelay $0x3  }
0x34: {  	[smem:$0x3FB0] =	sst s10  }
0x35: {  	s10 =	sld [smem:$0x3FAF];
	_ =	sdelay $0x3  }
0x36: {  	p1 =	seq.s32 s10, $0x1;
	s10 =	sld [smem:$0x3FB0];
	_ =	sdelay $0x3  }
0x37: {  	[smem:$0x3FB0] =	sst s10  }
0x38: {  	s10 =	sld [smem:$0x3FB1]  }
0x39: {  	_ = 	snop;
	(pc) =	sbr.ind lr, $3  }
0x3a: {  	_ = 	snop  }
0x3b: {  	_ = 	snop  }
0x3c: {  	p2 =	seq.s32 s10, $0x1;
	s10 =	sld [smem:$0x3FB0]  }
0x3d: {  	_ =	shalt  }
0x3e: {  	_ =	shalt  }
0x3f: {  	_ =	shalt  }
0x40: {  	_ =	shalt  }
0x41: {  	_ =	shalt  }
0x42: {  	_ =	shalt  }
0x43: {  	_ =	shalt  }
0x44: {  	_ =	shalt  }
0x45: {  	_ =	shalt  }
0x46: {  	_ =	shalt  }
0x47: {  	_ =	shalt  }
0x48: {  	_ =	shalt  }
0x49: {  	_ =	shalt  }
0x4a: {  	_ =	shalt  }
0x4b: {  	_ =	shalt  }
0x4c: {  	_ =	shalt  }
0x4d: {  	_ =	shalt  }
0x4e: {  	_ =	shalt  }
0x4f: {  	_ =	shalt  }
0x50: {  	_ =	shalt  }
0x51: {  	_ =	shalt  }
0x52: {  	_ =	shalt  }
0x53: {  	_ =	shalt  }
0x54: {  	_ =	shalt  }
0x55: {  	_ =	shalt  }
0x56: {  	_ =	shalt  }
0x57: {  	_ =	shalt  }
0x58: {  	_ =	shalt  }
0x59: {  	_ =	shalt  }
0x5a: {  	_ =	shalt  }
0x5b: {  	_ =	shalt  }
0x5c: {  	_ =	shalt  }
0x5d: {  	_ =	shalt  }
0x5e: {  	_ =	shalt  }
0x5f: {  	_ =	shalt  }
0x60: {  	_ =	shalt  }
0x61: {  	_ =	shalt  }
0x62: {  	_ =	shalt  }
0x63: {  	_ =	shalt  }
0x64: {  	_ =	shalt  }
0x65: {  	_ =	shalt  }
0x66: {  	_ =	shalt  }
0x67: {  	_ =	shalt  }
0x68: {  	_ =	shalt  }
0x69: {  	_ =	shalt  }
0x6a: {  	_ =	shalt  }
0x6b: {  	_ =	shalt  }
0x6c: {  	_ =	shalt  }
0x6d: {  	_ =	shalt  }
0x6e: {  	_ =	shalt  }
0x6f: {  	_ =	shalt  }
0x70: {  	_ =	shalt  }
0x71: {  	_ =	shalt  }
0x72: {  	_ =	shalt  }
0x73: {  	_ =	shalt  }
0x74: {  	_ =	shalt  }
0x75: {  	_ =	shalt  }
0x76: {  	_ =	shalt  }
0x77: {  	_ =	shalt  }
0x78: {  	_ =	shalt  }
0x79: {  	_ =	shalt  }
0x7a: {  	_ =	shalt  }
0x7b: {  	_ =	shalt  }
0x7c: {  	_ =	shalt  }
0x7d: {  	_ =	shalt  }
0x7e: {  	_ =	shalt  }
0x7f: {  	_ =	shalt  }
0x80: {  	_ =	shalt  }
0x81: {  	_ =	shalt  }
0x82: {  	_ =	shalt  }
0x83: {  	_ =	shalt  }
0x84: {  	_ =	shalt  }
0x85: {  	_ =	shalt  }
0x86: {  	_ =	shalt  }
0x87: {  	_ =	shalt  }
.Lfunc_end0:
.L_simem_size_0:
called_computation.2_lowered:
.L_overlay_start_0:
0x88: {  	s2 =	sld [smem:$0x3FD9]  }
0x89: {  	s3 =	sld [smem:$0x3FFE];
	_ =	sdelay $0x1  }
0x8a: {  	s1 =	srdreg.scid  }
0x8b: {  	s0 =	sand.u32 $0x1, s1  }
0x8c: {  	s16 =	sshll.u32 s0, $0xA;
	s2 =	sadd.s32 s3, s2  }
0x8d: {  	s2 =	sadd.s32 s2, s16  }
0x8e: {  	[smem:$0x3FBC] =	sst s2  }
0x8f: {  	_ = 	snop  }
0x90: {  	(tm) =	ssettm $0x1  }
0x91: {  	s17 =	sld [smem:$0x3FFB];
	_ =	sdelay $0x3  }
0x92: {  	_ =	strace s17  }
0x93: {  	s2 =	sld [smem:$0x3FFC];
	_ =	sdelay $0x3  }
0x94: {  	_ =	strace s2  }
0x95: {  	s2 =	sld [smem:$0x3FFD];
	_ =	sdelay $0x3  }
0x96: {  	_ =	strace s2  }
0x97: {  	_ =	strace $0x8FFFFFFF  }
0x98: {  	s18 =	sld [smem:$0x3FDB];
	_ =	sdelay $0x1  }
0x99: {  	s19 =	simm.s32 $_scs_section_size  }
0x9a: {  	s4 =	simm.s32 $_size__tile_overlayer_lowered;
	s5 =	simm.s32 $_tile_overlayer_lowered  }
0x9b: {  	s22 =	simm.s32 $0x1BFF;
	s21 =	sshll.u32 s5, $0x1;
	s2 =	sadd.s32 s19, s18  }
0x9c: {  	s6 =	simm.s32 $0x0;
	s20 =	sshll.u32 s4, $0x1;
	s4 =	sadd.s32 s21, s2  }
0x9d: {  	[timem:s6], [sflag:s22] =	dma.local [hbm:s4], s20  }
0x9e: {  	_ =	swait.ge [sflag:s22], s20  }
0x9f: {  	s3 =	ssub.s32 $0x0, s20;
	[sflag:s22] =	ssyncset.done $0x0  }
0xa0: {  	[sflag:s22] =	ssyncadd.s32 s3;
	_ =	sdelay $0x1  }
0xa1: {  	s23 =	simm.s32 $0x1B8B  }
0xa2: {  	_ =	swait.ge [sflag:s23], $0x1  }
0xa3: {  	[sflag:s23] =	ssyncset.done $0x0  }
0xa4: {  	s25 =	simm.s32 $0x1B8E;
	s24 =	sld [smem:$0x3FFE];
	[sflag:s23] =	ssyncadd.s32 $0xFFFFFFFF  }
0xa5: {  	s26 =	simm.s32 $execute0_lowered;
	[smem:$0x3FD2] =	sst s25  }
0xa6: {  	s4 =	sshll.u32 s26, $0x1;
	_ =	strace $0x8000004C;
	[dreg:$0x1] =	wrdreg $0xFFFFFFFF  }
0xa7: {  	s28 =	simm.s32 $_size_execute0_lowered;
	s2 =	sadd.s32 s2, s4;
	[dreg:$0x0] =	wrdreg $0x0  }
0xa8: {  	s4 =	sshll.u32 s28, $0x1;
	[dreg:$0x2] =	wrdreg s2  }
0xa9: {  	[dreg:$0x3] =	wrdreg s4  }
0xaa: {  	[dreg:$0x4] =	wrdreg $0xC0  }
0xab: {  	_ =	task [dreg:s6], $0x5FFFF  }
0xac: {  	[dreg:$0x1] =	wrdreg $0xFFFFFFFF  }
0xad: {  	[dreg:$0x0] =	wrdreg $0x60  }
0xae: {  	[dreg:$0x2] =	wrdreg s24  }
0xaf: {  	[dreg:$0x3] =	wrdreg $0x0  }
0xb0: {  	[dreg:$0x4] =	wrdreg $0x9  }
0xb1: {  	_ =	task.clear_ibuf [dreg:s6], $0x5FFFF;
	_ =	strace $0x9000004C  }
0xb2: {  	s29 =	simm.s32 $0x9;
	_ =	strace $0x8000004E  }
0xb3: {  	_ =	swait.ge [sflag:s29], $0x1  }
0xb4: {  	[sflag:s29] =	ssyncadd.s32 $0xFFFFFFFF  }
0xb5: {  	_ =	strace $0x9000004E  }
0xb6: {  	_ =	sfence  }
0xb7: {  	s30 =	sld [smem:$0x0];
	_ =	sdelay $0x2  }
0xb8: {  	s31 =	sshll.u32 s1, $0xD;
	s1 =	sshrl.u32 s1, $0x2  }
0xb9: {  	s3 =	sand.u32 $0x4000, s31;
	s1 =	sadd.s32 s1, s30  }
0xba: {  	s0 =	sor.u32 s3, s0;
	s1 =	sshll.u32 s1, $0x11  }
0xbb: {  	s0 =	sor.u32 s1, s0  }
0xbc: {  	s0 =	sadd.s32 $0x8F2B, s0  }
0xbd: {  	[sflag:s0] =	ssyncadd.remote.s32 $0x1  }
0xbe: {  	_ =	sfence.sel $0xFFFF  }
0xbf: {  	[dreg:$0x0] =	wrdreg $0xFFFFFFFF;
	(pc) =	sbr.abs _section_cstart, $3  }
0xc0: {  	[dreg:$0x1] =	wrdreg $0xFFFFFFFF  }
0xc1: {  	_ =	task.clear_ibuf [dreg:s6], $0x2FFFF;
	_ =	strace $0x9FFFFFFF  }
0xc2: {  	(tm) =	ssettm $0x7FFFFFFF  }
0xc3: {  	_ =	shalt  }
tec
execute0_lowered:
.L_overlay_start_1:
0x0: {  	(tag) =	ssettag $0x1  }
0x1: {  	s7 =	rddreg [dreg:$0x0]  }
0x2: {  	s1 =	rddreg [dreg:$0x1]  }
0x3: {  	s0 =	rddreg [dreg:$0x2];
	s2 =	simm.s32 $0x0;
	s3 =	srdreg.scid  }
0x4: {  	s20 =	simm.s32 $0x13900;
	s21 =	simm.s32 $0x13980;
	s22 =	simm.s32 $0x80  }
0x5: {  	s23 =	simm.s32 $0x0;
	[smem:$0x7FF] =	sst s2;
	s8 =	sand.u32 $0x1, s3  }
0x6: {  	s4 =	sadd.s32 $0xBC00, s7;
	s3 =	stileid.u32;
	s5 =	sadd.s32 $0x1C00, s7  }
0x7: {  	s6 =	sadd.s32 $0x3CE00, s7;
	s16 =	sadd.s32 $0x46E00, s7;
	s11 =	smul.u32 $0x4E000, s3  }
0x8: {  	_ =	strace $0x8000004D;
	s9 =	ssub.s32 $0x2, s8;
	s14 =	smul.u32 $0x138800, s8  }
0x9: {  	s30 =	sshll.u32 s8, $0x4;
	s13 =	smul.u32 $0x13800, s3;
	s10 =	sshrl.u32 s9, $0x1  }
0xa: {  	p0 =	sne.s32 s3, $0xF;
	s15 =	sor.u32 s3, s30;
	s17 =	ssub.s32 s9, s10  }
0xb: {  	s31 =	sshrl.u32 s11, $0x2;
	s18 =	sadd.s32 s13, s14;
	s13 =	sadd.s32 $0x138000, s1  }
0xc: {  	s19 =	sshrl.u32 s14, $0x3;
	s14 =	smul.u32 $0x2800, s15;
	s7 =	sadd.s32 s31, s1  }
0xd: {  	s18 =	sshrl.u32 s18, $0x3;
	s17 =	smax.u32 s17, $0x1;
	s8 =	sadd.s32 $0x3400, s7  }
0xe: {  	s9 =	sadd.s32 $0x6800, s7;
	s10 =	sadd.s32 $0x9C00, s7;
	s11 =	sadd.s32 $0xD000, s7  }
0xf: {  	s12 =	sadd.s32 $0x10400, s7;
	s15 =	sadd.s32 s16, s18;
	s16 =	sadd.s32 s16, s19  }
0x10: {  	v0 =	vimm.f32 $0.0e+00;
	s18 =	simm.s32 $0x13A00;
	s19 =	simm.s32 $0x1;
	s16 =	sadd.s32 $0x27000, s16  }
.LBB2_1:
0x11: {  	s24 =	simm.s32 $0x0;
	s25 =	simm.s32 $0x200  }
.LBB2_2:
0x12: {  	p1 =	sne.s32 s25, $0xFE00;
	[tilespmem:s24+$0x13A70] =	vst v0  }
0x13: {  	[tilespmem:s24+$0x13A00] =	vst v0  }
0x14: {  	[tilespmem:s24+$0x13A10] =	vst v0  }
.Ltmp0:
0x15: {  	[tilespmem:s24+$0x13A20] =	vst v0;
	(pc) =	sbr.rel @p1 .LBB2_2-.Ltmp0, $4  }
0x16: {  	[tilespmem:s24+$0x13A30] =	vst v0  }
0x17: {  	[tilespmem:s24+$0x13A40] =	vst v0  }
0x18: {  	[tilespmem:s24+$0x13A50] =	vst v0  }
0x19: {  	[tilespmem:s24+$0x13A60] =	vst v0;
	s24 =	sshra.s32 s25, $0x2;
	s25 =	sadd.s32 $0x200, s25  }
0x1a: {  	[tilespmem:s24+$0x13A70] =	vst v0  }
0x1b: {  	[tilespmem:s24+$0x13A00] =	vst v0  }
0x1c: {  	[tilespmem:s24+$0x13A10] =	vst v0  }
0x1d: {  	[tilespmem:s24+$0x13A20] =	vst v0  }
0x1e: {  	[tilespmem:s24+$0x13A30] =	vst v0  }
0x1f: {  	[tilespmem:s24+$0x13A40] =	vst v0  }
0x20: {  	[tilespmem:s24+$0x13A50] =	vst v0  }
0x21: {  	[tilespmem:s24+$0x13A60] =	vst v0  }
0x22: {  	[spmem:s7] =	stream.linear.scatter [tilespmem:s18], [sflag:$0x1], $0x3400, $0x38;
	[tilespmem:$0x17A00] =	vst v63  }
0x23: {  	_ =	swait.ge [sflag:s19], $0x3400  }
0x24: {  	[sflag:s19] =	ssyncset.done $0x0  }
0x25: {  	[sflag:s19] =	ssyncadd.s32 $0xFFFFCC00  }
0x26: {  	[spmem:s8] =	stream.linear.scatter [tilespmem:s18], [sflag:$0x1], $0x3400, $0x38;
	[tilespmem:$0x17A00] =	vst v63  }
0x27: {  	_ =	swait.ge [sflag:s19], $0x3400  }
0x28: {  	[sflag:s19] =	ssyncset.done $0x0  }
0x29: {  	[sflag:s19] =	ssyncadd.s32 $0xFFFFCC00  }
0x2a: {  	[spmem:s9] =	stream.linear.scatter [tilespmem:s18], [sflag:$0x1], $0x3400, $0x38;
	[tilespmem:$0x17A00] =	vst v63  }
0x2b: {  	_ =	swait.ge [sflag:s19], $0x3400  }
0x2c: {  	[sflag:s19] =	ssyncset.done $0x0  }
0x2d: {  	[sflag:s19] =	ssyncadd.s32 $0xFFFFCC00  }
0x2e: {  	[spmem:s10] =	stream.linear.scatter [tilespmem:s18], [sflag:$0x1], $0x3400, $0x38;
	[tilespmem:$0x17A00] =	vst v63  }
0x2f: {  	_ =	swait.ge [sflag:s19], $0x3400  }
0x30: {  	[sflag:s19] =	ssyncset.done $0x0  }
0x31: {  	[sflag:s19] =	ssyncadd.s32 $0xFFFFCC00  }
0x32: {  	[spmem:s11] =	stream.linear.scatter [tilespmem:s18], [sflag:$0x1], $0x3400, $0x38;
	[tilespmem:$0x17A00] =	vst v63  }
0x33: {  	_ =	swait.ge [sflag:s19], $0x3400  }
0x34: {  	[sflag:s19] =	ssyncset.done $0x0  }
0x35: {  	[sflag:s19] =	ssyncadd.s32 $0xFFFFCC00  }
0x36: {  	[spmem:s12] =	stream.linear.scatter [tilespmem:s18], [sflag:$0x1], $0x3400, $0x38;
	[tilespmem:$0x17A00] =	vst v63  }
0x37: {  	_ =	swait.ge [sflag:s19], $0x3400  }
0x38: {  	s24 =	simm.s32 @!p0 $0x13A00;
	s31 =	simm.s32 $0x0;
	[sflag:s19] =	ssyncset.done $0x0  }
0x39: {  	s25 =	simm.s32 @!p0 $0x1;
	s26 =	sand.u32 $0x3C00, s31;
	[sflag:s19] =	ssyncadd.s32 $0xFFFFCC00  }
0x3a: {  	[spmem:s13] =	stream.linear.scatter @!p0 [tilespmem:s24], [sflag:$0x1], $0x800, $0x38;
	[tilespmem:$0x17A00] =	vst v63  }
0x3b: {  	s26 =	sadd.s32 s14, s26;
	s24 =	sand.u32 $0x380, s31;
	_ =	swait.ge @!p0 [sflag:s25], $0x800  }
0x3c: {  	s24 =	sor.u32 s24, s26;
	[sflag:s25] =	ssyncset.done @!p0 $0x0  }
0x3d: {  	s24 =	sshrl.u32 s24, $0x3;
	[sflag:s25] =	ssyncadd.s32 @!p0 $0xFFFFF800  }
0x3e: {  	s28 =	sadd.s32 s5, s24;
	[bflag:$0x0] =	sbarrier.arrive $0xFFFF  }
0x3f: {  	[tilespmem:s20], [sflag:$0x1] =	stream.linear.gather [hbm4b:s28+s2], $0x80, $0x38;
	[tilespmem:$0x17A00] =	vst v63  }
0x40: {  	_ =	swait.ge [sflag:s19], $0x80  }
0x41: {  	[sflag:s19] =	ssyncset.done $0x0  }
0x42: {  	s24 =	sadd.s32 s6, s24;
	[sflag:s19] =	ssyncadd.s32 $0xFFFFFF80  }
0x43: {  	[tilespmem:s21], [sflag:$0x1] =	stream.linear.gather [hbm4b:s24+s2], $0x80, $0x38;
	[tilespmem:$0x17A00] =	vst v63  }
0x44: {  	_ =	swait.ge [sflag:s19], $0x80  }
0x45: {  	[sflag:s19] =	ssyncset.done $0x0  }
0x46: {  	[sflag:s19] =	ssyncadd.s32 $0xFFFFFF80  }
0x47: {  	[tilespmem:s18], [sflag:$0x1] =	stream.indirect.gather [hbm4b:s4+s22], $0x80, s20, s22, $0xb8;
	[tilespmem:$0x17A00] =	vst v63  }
0x48: {  	_ =	swait.ge [sflag:s19], $0x4000  }
0x49: {  	s29 =	simm.s32 $0x80;
	[sflag:s19] =	ssyncset.done $0x0  }
0x4a: {  	s30 =	sand.u32 $0x3C00, s29;
	[sflag:s19] =	ssyncadd.s32 $0xFFFFC000  }
0x4b: {  	[spmem:s1] =	stream.indirect.scatter.add.f32 [tilespmem:s18], [sflag:$0x1], $0x80, s21, s22, $0xb8;
	[tilespmem:$0x17A00] =	vst v63  }
0x4c: {  	s31 =	sand.u32 $0x380, s29;
	s25 =	sadd.s32 s14, s30;
	_ =	swait.ge [sflag:s19], $0x4000  }
0x4d: {  	s25 =	sor.u32 s31, s25;
	s24 =	simm.s32 $0x100;
	[sflag:s19] =	ssyncset.done $0x0  }
.LBB2_4:
0x4e: {  	s25 =	sshrl.u32 s25, $0x3  }
0x4f: {  	[sflag:s19] =	ssyncadd.s32 $0xFFFFC000;
	s26 =	smov.u32 s24;
	s28 =	sadd.s32 $0x80, s24  }
0x50: {  	p1 =	sne.s32 s24, $0x2780;
	s24 =	sadd.s32 s5, s25  }
0x51: {  	[tilespmem:s20], [sflag:$0x1] =	stream.linear.gather [hbm4b:s24+s2], $0x80, $0x38;
	[tilespmem:$0x17A00] =	vst v63  }
0x52: {  	_ =	swait.ge [sflag:s19], $0x80  }
0x53: {  	[sflag:s19] =	ssyncset.done $0x0  }
0x54: {  	s24 =	sadd.s32 s6, s25;
	[sflag:s19] =	ssyncadd.s32 $0xFFFFFF80  }
0x55: {  	[tilespmem:s21], [sflag:$0x1] =	stream.linear.gather [hbm4b:s24+s2], $0x80, $0x38;
	[tilespmem:$0x17A00] =	vst v63  }
0x56: {  	_ =	swait.ge [sflag:s19], $0x80  }
0x57: {  	[sflag:s19] =	ssyncset.done $0x0  }
0x58: {  	[sflag:s19] =	ssyncadd.s32 $0xFFFFFF80  }
0x59: {  	[tilespmem:s18], [sflag:$0x1] =	stream.indirect.gather [hbm4b:s4+s22], $0x80, s20, s22, $0xb8;
	[tilespmem:$0x17A00] =	vst v63  }
0x5a: {  	_ =	swait.ge [sflag:s19], $0x4000  }
.Ltmp1:
0x5b: {  	[sflag:s19] =	ssyncset.done $0x0;
	(pc) =	sbr.rel @p1 .LBB2_4-.Ltmp1, $4  }
0x5c: {  	s24 =	sand.u32 $0x3C00, s26;
	[sflag:s19] =	ssyncadd.s32 $0xFFFFC000  }
0x5d: {  	[spmem:s1] =	stream.indirect.scatter.add.f32 [tilespmem:s18], [sflag:$0x1], $0x80, s21, s22, $0xb8;
	[tilespmem:$0x17A00] =	vst v63  }
0x5e: {  	s25 =	sand.u32 $0x380, s26;
	s24 =	sadd.s32 s14, s24;
	_ =	swait.ge [sflag:s19], $0x4000  }
0x5f: {  	s25 =	sor.u32 s25, s24;
	s24 =	smov.u32 s28;
	[sflag:s19] =	ssyncset.done $0x0  }
0x60: {  	s24 =	sshrl.u32 s25, $0x3  }
0x61: {  	[sflag:s19] =	ssyncadd.s32 $0xFFFFC000;
	s25 =	sadd.s32 s5, s24  }
0x62: {  	[tilespmem:s20], [sflag:$0x1] =	stream.linear.gather [hbm4b:s25+s2], $0x80, $0x38;
	[tilespmem:$0x17A00] =	vst v63  }
0x63: {  	_ =	swait.ge [sflag:s19], $0x80  }
0x64: {  	[sflag:s19] =	ssyncset.done $0x0  }
0x65: {  	s24 =	sadd.s32 s6, s24;
	[sflag:s19] =	ssyncadd.s32 $0xFFFFFF80  }
0x66: {  	[tilespmem:s21], [sflag:$0x1] =	stream.linear.gather [hbm4b:s24+s2], $0x80, $0x38;
	[tilespmem:$0x17A00] =	vst v63  }
0x67: {  	_ =	swait.ge [sflag:s19], $0x80  }
0x68: {  	[sflag:s19] =	ssyncset.done $0x0  }
0x69: {  	[sflag:s19] =	ssyncadd.s32 $0xFFFFFF80  }
0x6a: {  	[tilespmem:s18], [sflag:$0x1] =	stream.indirect.gather [hbm4b:s4+s22], $0x80, s20, s22, $0xb8;
	[tilespmem:$0x17A00] =	vst v63  }
0x6b: {  	_ =	swait.ge [sflag:s19], $0x4000  }
0x6c: {  	[sflag:s19] =	ssyncset.done $0x0  }
0x6d: {  	[sflag:s19] =	ssyncadd.s32 $0xFFFFC000  }
0x6e: {  	[spmem:s1] =	stream.indirect.scatter.add.f32 [tilespmem:s18], [sflag:$0x1], $0x80, s21, s22, $0xb8;
	[tilespmem:$0x17A00] =	vst v63  }
0x6f: {  	_ =	swait.ge [sflag:s19], $0x4000  }
0x70: {  	[sflag:s19] =	ssyncset.done $0x0  }
0x71: {  	s30 =	sshll.u32 s3, $0x6;
	[sflag:s19] =	ssyncadd.s32 $0xFFFFC000  }
0x72: {  	s31 =	sshrl.u32 s7, $0x3;
	s24 =	sor.u32 $0x1C01, s30;
	[bflag:$0x0] =	sbarrier.arrive $0xFFFF  }
0x73: {  	[hbm:s15], [sflag:s24] =	dma.local [spmem:s31], $0x2700  }
0x74: {  	_ =	swait.ge [sflag:s19], $0x2700  }
0x75: {  	s23 =	sadd.s32 $0x1, s23;
	[sflag:s19] =	ssyncset.done $0x0  }
0x76: {  	p1 =	sne.s32 s23, s17;
	s25 =	sshrl.u32 @!p0 s13, $0x3;
	[sflag:s19] =	ssyncadd.s32 $0xFFFFD900  }
0x77: {  	[hbm:s16], [sflag:s24] =	dma.local @!p0 [spmem:s25], $0x100  }
.Ltmp2:
0x78: {  	_ = 	snop;
	(pc) =	sbr.rel @p1 .LBB2_1-.Ltmp2, $4  }
0x79: {  	s24 =	simm.s32 @!p0 $0x1  }
0x7a: {  	_ =	swait.ge @!p0 [sflag:s24], $0x100  }
0x7b: {  	[sflag:s24] =	ssyncset.done @!p0 $0x0  }
0x7c: {  	[sflag:s24] =	ssyncadd.s32 @!p0 $0xFFFFFF00  }
0x7d: {  	_ =	sfence.sel $0x180000  }
0x7e: {  	[bflag:$0x0] =	sbarrier.arrive $0xFFFF  }
0x7f: {  	p0 =	sne.s32 s3, $0x0;
	_ =	strace $0x9000004D  }
0x80: {  	s0 =	sadd.s32 @!p0 $0x100000, s0;
	[bflag:$0x2] =	sbarrier.arrive $0xFFFF  }
0x81: {  	[sflag:s0] =	ssyncadd.tile.s32 @!p0 $0x1;
	_ =	shalt  }
.Lfunc_end2:
_tile_overlayer_lowered:
.L_overlay_start_2:
0x82: {  	(tag) =	ssettag $0x2  }
0x83: {  	s0 =	rddreg [dreg:$0x0];
	s2 =	stileid.u32  }
0x84: {  	s1 =	rddreg [dreg:$0x1];
	p0 =	sne.s32 s2, $0x0  }
0x85: {  	s3 =	rddreg [dreg:$0x2];
	[bflag:$0x3] =	sbarrier.arrive $0xFFFF;
	s2 =	simm.s32 @!p0 $0x1C01  }
0x86: {  	[timem:s3], [sflag:s2] =	dma.local @!p0 [hbm:s0], s1  }
0x87: {  	s0 =	simm.s32 @!p0 $0x1  }
0x88: {  	_ =	swait.ge @!p0 [sflag:s0], s1  }
0x89: {  	s1 =	ssub.s32 @!p0 $0x0, s1;
	[sflag:s0] =	ssyncset.done @!p0 $0x0  }
0x8a: {  	[sflag:s0] =	ssyncadd.s32 @!p0 s1  }
0x8b: {  	[bflag:$0x3] =	sbarrier.arrive $0xFFFF  }
0x8c: {  	_ =	shalt  }

// kernel: kernel.7.cloned.1.call-start
scs
__scs_entry_jumppad:
0x0: {  	(pc) =	sbr.rel $0x88, $3  }
0x1: {  	(tag) =	ssettag $0x0;
	lr =	simm.s32 $0x1  }
0x2: {  	[smem:$0x3F95] =	sst lr;
	_ =	strace $0xD0000000  }
0x3: {  	_ = 	snop  }
0x4: {  	_ = 	snop  }
0x5: {  	_ = 	snop  }
0x6: {  	_ = 	snop  }
0x7: {  	_ = 	snop  }
__scs_overlays_trampoline_lowered:
0x8: {  	[smem:$0x3FA4] =	sst s0  }
0x9: {  	[smem:$0x3FA5] =	sst s1  }
0xa: {  	[smem:$0x3FA6] =	sst s2  }
0xb: {  	[smem:$0x3FA7] =	sst s3  }
0xc: {  	[smem:$0x3FA8] =	sst s4  }
0xd: {  	[smem:$0x3FA9] =	sst s5  }
0xe: {  	[smem:$0x3FAA] =	sst s6  }
0xf: {  	[smem:$0x3FAB] =	sst s7  }
0x10: {  	[smem:$0x3FAC] =	sst s8  }
0x11: {  	[smem:$0x3FAD] =	sst s9;
	s0 =	simm.s32 @!p0 $0x0  }
0x12: {  	s1 =	sld [smem:$0x3F93];
	s0 =	simm.s32 @p0 $0x1  }
0x13: {  	[smem:$0x3FAE] =	sst s0;
	s0 =	simm.s32 @!p1 $0x0  }
0x14: {  	s2 =	sld [smem:$0x3F92];
	s0 =	simm.s32 @p1 $0x1  }
0x15: {  	[smem:$0x3FAF] =	sst s0;
	s0 =	simm.s32 @!p2 $0x0  }
0x16: {  	s3 =	sld [smem:$0x3FDB];
	s0 =	simm.s32 @p2 $0x1  }
0x17: {  	s4 =	simm.s32 $0x1BF5;
	[smem:$0x3FB1] =	sst s0  }
0x18: {  	s0 =	sld [smem:$0x3F94];
	_ =	swait.ge [sflag:s4], $0x0  }
0x19: {  	s7 =	sld [smem:$0x3F95]  }
0x1a: {  	s8 =	sadd.s32 $0xFFFFE003, lr  }
0x1b: {  	s9 =	sadd.s32 $0xFFFFFEF7, lr;
	s5 =	simm.s32 $0xFFFFFFFF;
	p2 =	slt.u32 s8, $0xFFFFF086  }
0x1c: {  	p1 =	slt.u32 s9, $0xF7A;
	s5 =	simm.s32 @!p2 $0x0  }
0x1d: {  	s5 =	simm.s32 @p1 $0x1;
	p0 =	seq.s32 s7, s2  }
0x1e: {  	s7 =	smul.u32 @!p0 $0xF7A, s2;
	p2 =	seq.s32 @!p0 s5, $0x0  }
0x1f: {  	s9 =	smul.u32 $0xF7A, s1;
	s8 =	simm.s32 @!p0 $0x1BF5;
	p2 =	por !p2, p0  }
0x20: {  	[sflag:s8] =	ssyncset.s32 @!p0 $0xFFFFF086;
	s6 =	sadd.s32 @!p0 s3, s7;
	s7 =	simm.s32 @!p0 $0x108  }
0x21: {  	s3 =	sadd.s32 s3, s9;
	s6 =	sadd.s32 @!p0 $0x88, s6;
	s7 =	simm.s32 @p2 $0x1082  }
0x22: {  	[simem:s7], [sflag:s8] =	dma.local @!p0 [hbm:s6], $0xF7A  }
0x23: {  	s9 =	sor.u32 $0xD0000000, s2;
	s6 =	simm.s32 $0x108;
	_ =	swait.ge @!p0 [sflag:s8], $0x0  }
0x24: {  	s3 =	sadd.s32 $0x88, s3;
	s6 =	simm.s32 @!p1 $0x1082;
	[sflag:s4] =	ssyncset.s32 $0xFFFFF086  }
0x25: {  	[simem:s6], [sflag:s4] =	dma.local [hbm:s3], $0xF7A  }
0x26: {  	[smem:$0x3F95] =	sst s1;
	(tag) =	ssettag s2;
	_ =	strace s9  }
0x27: {  	s1 =	sld [smem:$0x3FA5]  }
0x28: {  	s2 =	sld [smem:$0x3FA6]  }
0x29: {  	s4 =	sld [smem:$0x3FA8]  }
0x2a: {  	p0 =	seq.s32 s5, $0x0;
	s5 =	sld [smem:$0x3FA9]  }
0x2b: {  	s6 =	sld [smem:$0x3FAA]  }
0x2c: {  	s7 =	sld [smem:$0x3FAB]  }
0x2d: {  	s3 =	simm.s32 $0x108;
	s8 =	sld [smem:$0x3FAC]  }
0x2e: {  	s3 =	simm.s32 @!p0 $0x1082;
	s9 =	sld [smem:$0x3FAD]  }
0x2f: {  	lr =	sadd.s32 s0, s3;
	s0 =	sld [smem:$0x3FA4]  }
0x30: {  	s3 =	sld [smem:$0x3FA7]  }
0x31: {  	[smem:$0x3FB0] =	sst s10  }
0x32: {  	s10 =	sld [smem:$0x3FAE];
	_ =	sdelay $0x3  }
0x33: {  	p0 =	seq.s32 s10, $0x1;
	s10 =	sld [smem:$0x3FB0];
	_ =	sdelay $0x3  }
0x34: {  	[smem:$0x3FB0] =	sst s10  }
0x35: {  	s10 =	sld [smem:$0x3FAF];
	_ =	sdelay $0x3  }
0x36: {  	p1 =	seq.s32 s10, $0x1;
	s10 =	sld [smem:$0x3FB0];
	_ =	sdelay $0x3  }
0x37: {  	[smem:$0x3FB0] =	sst s10  }
0x38: {  	s10 =	sld [smem:$0x3FB1]  }
0x39: {  	_ = 	snop;
	(pc) =	sbr.ind lr, $3  }
0x3a: {  	_ = 	snop  }
0x3b: {  	_ = 	snop  }
0x3c: {  	p2 =	seq.s32 s10, $0x1;
	s10 =	sld [smem:$0x3FB0]  }
0x3d: {  	_ =	shalt  }
0x3e: {  	_ =	shalt  }
0x3f: {  	_ =	shalt  }
0x40: {  	_ =	shalt  }
0x41: {  	_ =	shalt  }
0x42: {  	_ =	shalt  }
0x43: {  	_ =	shalt  }
0x44: {  	_ =	shalt  }
0x45: {  	_ =	shalt  }
0x46: {  	_ =	shalt  }
0x47: {  	_ =	shalt  }
0x48: {  	_ =	shalt  }
0x49: {  	_ =	shalt  }
0x4a: {  	_ =	shalt  }
0x4b: {  	_ =	shalt  }
0x4c: {  	_ =	shalt  }
0x4d: {  	_ =	shalt  }
0x4e: {  	_ =	shalt  }
0x4f: {  	_ =	shalt  }
0x50: {  	_ =	shalt  }
0x51: {  	_ =	shalt  }
0x52: {  	_ =	shalt  }
0x53: {  	_ =	shalt  }
0x54: {  	_ =	shalt  }
0x55: {  	_ =	shalt  }
0x56: {  	_ =	shalt  }
0x57: {  	_ =	shalt  }
0x58: {  	_ =	shalt  }
0x59: {  	_ =	shalt  }
0x5a: {  	_ =	shalt  }
0x5b: {  	_ =	shalt  }
0x5c: {  	_ =	shalt  }
0x5d: {  	_ =	shalt  }
0x5e: {  	_ =	shalt  }
0x5f: {  	_ =	shalt  }
0x60: {  	_ =	shalt  }
0x61: {  	_ =	shalt  }
0x62: {  	_ =	shalt  }
0x63: {  	_ =	shalt  }
0x64: {  	_ =	shalt  }
0x65: {  	_ =	shalt  }
0x66: {  	_ =	shalt  }
0x67: {  	_ =	shalt  }
0x68: {  	_ =	shalt  }
0x69: {  	_ =	shalt  }
0x6a: {  	_ =	shalt  }
0x6b: {  	_ =	shalt  }
0x6c: {  	_ =	shalt  }
0x6d: {  	_ =	shalt  }
0x6e: {  	_ =	shalt  }
0x6f: {  	_ =	shalt  }
0x70: {  	_ =	shalt  }
0x71: {  	_ =	shalt  }
0x72: {  	_ =	shalt  }
0x73: {  	_ =	shalt  }
0x74: {  	_ =	shalt  }
0x75: {  	_ =	shalt  }
0x76: {  	_ =	shalt  }
0x77: {  	_ =	shalt  }
0x78: {  	_ =	shalt  }
0x79: {  	_ =	shalt  }
0x7a: {  	_ =	shalt  }
0x7b: {  	_ =	shalt  }
0x7c: {  	_ =	shalt  }
0x7d: {  	_ =	shalt  }
0x7e: {  	_ =	shalt  }
0x7f: {  	_ =	shalt  }
0x80: {  	_ =	shalt  }
0x81: {  	_ =	shalt  }
0x82: {  	_ =	shalt  }
0x83: {  	_ =	shalt  }
0x84: {  	_ =	shalt  }
0x85: {  	_ =	shalt  }
0x86: {  	_ =	shalt  }
0x87: {  	_ =	shalt  }
.Lfunc_end0:
.L_simem_size_0:
called_computation_lowered:
.L_overlay_start_0:
0x88: {  	s2 =	sld [smem:$0x3FD9]  }
0x89: {  	s3 =	sld [smem:$0x3FFE];
	_ =	sdelay $0x1  }
0x8a: {  	s1 =	srdreg.scid  }
0x8b: {  	s0 =	sand.u32 $0x1, s1  }
0x8c: {  	s17 =	sshll.u32 s0, $0xA;
	s2 =	sadd.s32 s3, s2  }
0x8d: {  	s2 =	sadd.s32 s2, s17  }
0x8e: {  	[smem:$0x3FBC] =	sst s2  }
0x8f: {  	_ = 	snop  }
0x90: {  	(tm) =	ssettm $0x1  }
0x91: {  	s18 =	sld [smem:$0x3FFB];
	_ =	sdelay $0x3  }
0x92: {  	_ =	strace s18  }
0x93: {  	s2 =	sld [smem:$0x3FFC];
	_ =	sdelay $0x3  }
0x94: {  	_ =	strace s2  }
0x95: {  	s2 =	sld [smem:$0x3FFD];
	_ =	sdelay $0x3  }
0x96: {  	_ =	strace s2  }
0x97: {  	_ =	strace $0x8FFFFFFF  }
0x98: {  	s19 =	sld [smem:$0x3FDB];
	_ =	sdelay $0x1  }
0x99: {  	s20 =	simm.s32 $_scs_section_size  }
0x9a: {  	s4 =	simm.s32 $_size__tile_overlayer_lowered;
	s5 =	simm.s32 $_tile_overlayer_lowered  }
0x9b: {  	s6 =	simm.s32 $0x1BFF;
	s21 =	sshll.u32 s5, $0x1;
	s3 =	sadd.s32 s20, s19  }
0x9c: {  	s22 =	simm.s32 $0x0;
	s4 =	sshll.u32 s4, $0x1;
	s5 =	sadd.s32 s21, s3  }
0x9d: {  	[timem:s22], [sflag:s6] =	dma.local [hbm:s5], s4  }
0x9e: {  	_ =	swait.ge [sflag:s6], s4  }
0x9f: {  	s4 =	ssub.s32 $0x0, s4;
	[sflag:s6] =	ssyncset.done $0x0  }
0xa0: {  	[sflag:s6] =	ssyncadd.s32 s4;
	_ =	sdelay $0x1  }
0xa1: {  	s23 =	simm.s32 $0x1B8B  }
0xa2: {  	_ =	swait.ge [sflag:s23], $0x1  }
0xa3: {  	[sflag:s23] =	ssyncset.done $0x0  }
0xa4: {  	[sflag:s23] =	ssyncadd.s32 $0xFFFFFFFF  }
0xa5: {  	s4 =	sld [smem:$0x0]  }
0xa6: {  	s5 =	sand.u32 $0xFFFFFFFE, s1  }
0xa7: {  	p0 =	sne.s32 s1, s5  }
0xa8: {  	s5 =	sshll.u32 @p0 s5, $0xE  }
0xa9: {  	s5 =	sadd.s32 @p0 $0x11B8D, s5;
	s6 =	sshll.u32 @p0 s4, $0x11  }
0xaa: {  	s5 =	sor.u32 @p0 s6, s5  }
0xab: {  	[sflag:s5] =	ssyncadd.remote.s32 @p0 $0x1;
	_ =	sdelay $0x1  }
0xac: {  	s5 =	simm.s32 @p0 $0x1B8D  }
0xad: {  	_ =	swait.eq @p0 [sflag:s5], $0x1  }
0xae: {  	[sflag:s5] =	ssyncadd.s32 @p0 $0xFFFFFFFF  }
0xaf: {  	s6 =	sshll.u32 @!p0 s1, $0xE  }
0xb0: {  	s6 =	sor.u32 @!p0 $0x4000, s6;
	s5 =	simm.s32 @!p0 $0x1B8D  }
0xb1: {  	s4 =	sshll.u32 @!p0 s4, $0x11;
	s6 =	sadd.s32 @!p0 $0x11B8D, s6;
	_ =	swait.eq @!p0 [sflag:s5], $0x1  }
0xb2: {  	s4 =	sor.u32 @!p0 s4, s6;
	[sflag:s5] =	ssyncadd.s32 @!p0 $0xFFFFFFFF  }
0xb3: {  	s25 =	simm.s32 $0x1B8E;
	s24 =	sld [smem:$0x3FFE];
	[sflag:s4] =	ssyncadd.remote.s32 @!p0 $0x1  }
0xb4: {  	s26 =	simm.s32 $execute0_lowered;
	[smem:$0x3FD2] =	sst s25  }
0xb5: {  	s5 =	sshll.u32 s26, $0x1;
	_ =	strace $0x80000049;
	[dreg:$0x1] =	wrdreg $0xFFFFFFFF  }
0xb6: {  	s28 =	simm.s32 $_size_execute0_lowered;
	s3 =	sadd.s32 s3, s5;
	[dreg:$0x0] =	wrdreg $0x0  }
0xb7: {  	s5 =	sshll.u32 s28, $0x1;
	[dreg:$0x2] =	wrdreg s3  }
0xb8: {  	[dreg:$0x3] =	wrdreg s5  }
0xb9: {  	[dreg:$0x4] =	wrdreg $0xC0  }
0xba: {  	_ =	task [dreg:s22], $0x5FFFF  }
0xbb: {  	[dreg:$0x1] =	wrdreg $0xFFFFFFFF  }
0xbc: {  	[dreg:$0x0] =	wrdreg $0x60  }
0xbd: {  	[dreg:$0x2] =	wrdreg s24  }
0xbe: {  	[dreg:$0x3] =	wrdreg $0x0  }
0xbf: {  	[dreg:$0x4] =	wrdreg $0x9  }
0xc0: {  	_ =	task.clear_ibuf [dreg:s22], $0x5FFFF;
	_ =	strace $0x90000049  }
0xc1: {  	s29 =	simm.s32 $0x9;
	_ =	strace $0x8000004B  }
0xc2: {  	_ =	swait.ge [sflag:s29], $0x1  }
0xc3: {  	[sflag:s29] =	ssyncadd.s32 $0xFFFFFFFF  }
0xc4: {  	_ =	strace $0x9000004B  }
0xc5: {  	_ =	sfence  }
0xc6: {  	s30 =	sld [smem:$0x0];
	_ =	sdelay $0x2  }
0xc7: {  	s31 =	sshll.u32 s1, $0xD;
	s1 =	sshrl.u32 s1, $0x2  }
0xc8: {  	s4 =	sand.u32 $0x4000, s31;
	s1 =	sadd.s32 s1, s30  }
0xc9: {  	s0 =	sor.u32 s4, s0;
	s1 =	sshll.u32 s1, $0x11  }
0xca: {  	s0 =	sor.u32 s1, s0  }
0xcb: {  	s0 =	sadd.s32 $0x8F2B, s0  }
0xcc: {  	[sflag:s0] =	ssyncadd.remote.s32 $0x1  }
0xcd: {  	_ =	sfence.sel $0xFFFF  }
0xce: {  	[dreg:$0x0] =	wrdreg $0xFFFFFFFF;
	(pc) =	sbr.abs _section_cstart, $3  }
0xcf: {  	[dreg:$0x1] =	wrdreg $0xFFFFFFFF  }
0xd0: {  	_ =	task.clear_ibuf [dreg:s22], $0x2FFFF;
	_ =	strace $0x9FFFFFFF  }
0xd1: {  	(tm) =	ssettm $0x7FFFFFFF  }
tec
execute0_lowered:
.L_overlay_start_1:
0x0: {  	(tag) =	ssettag $0x1  }
0x1: {  	s5 =	rddreg [dreg:$0x0]  }
0x2: {  	s1 =	rddreg [dreg:$0x1]  }
0x3: {  	s0 =	rddreg [dreg:$0x2];
	s3 =	simm.s32 $0x0;
	s4 =	srdreg.scid  }
0x4: {  	s2 =	stileid.u32;
	s17 =	simm.s32 $0x1;
	s18 =	simm.s32 $0x13900  }
0x5: {  	s19 =	simm.s32 $0x80;
	s20 =	simm.s32 $0x0;
	[smem:$0x7FF] =	sst s3  }
0x6: {  	s6 =	sand.u32 $0x1, s4;
	s8 =	smul.u32 $0x4E000, s2;
	s4 =	sadd.s32 $0x32E00, s5  }
0x7: {  	s13 =	sadd.s32 $0x95000, s5;
	s16 =	smul.u32 $0x13800, s2;
	s11 =	sadd.s32 $0x138000, s1  }
0x8: {  	p0 =	sne.s32 s2, $0xF;
	_ =	strace $0x8000004A;
	s7 =	ssub.s32 $0x2, s6  }
0x9: {  	s30 =	sshll.u32 s6, $0x4;
	s14 =	smul.u32 $0x138800, s6;
	s29 =	sshrl.u32 s7, $0x1  }
0xa: {  	s31 =	sshrl.u32 s8, $0x2;
	s12 =	sor.u32 s2, s30;
	s15 =	ssub.s32 s7, s29  }
0xb: {  	s5 =	sadd.s32 s31, s1;
	s16 =	sadd.s32 s16, s14;
	s14 =	sshrl.u32 s14, $0x3  }
0xc: {  	s12 =	smul.u32 $0x2800, s12;
	s6 =	sadd.s32 $0x3400, s5;
	s7 =	sadd.s32 $0x6800, s5  }
0xd: {  	s8 =	sadd.s32 $0x9C00, s5;
	s9 =	sadd.s32 $0xD000, s5;
	s10 =	sadd.s32 $0x10400, s5  }
0xe: {  	s16 =	sshrl.u32 s16, $0x3;
	s14 =	sadd.s32 s13, s14;
	s15 =	smax.u32 s15, $0x1  }
0xf: {  	v0 =	vimm.f32 $0.0e+00;
	v1 =	vimm.f32 $1.000000000e+00;
	s13 =	sadd.s32 s13, s16;
	s14 =	sadd.s32 $0x27000, s14;
	s16 =	simm.s32 $0x13980  }
.LBB2_1:
0x10: {  	s21 =	simm.s32 $0x0;
	s22 =	simm.s32 $0x200  }
.LBB2_2:
0x11: {  	p1 =	sne.s32 s22, $0xFE00;
	[tilespmem:s21+$0x139F0] =	vst v0  }
0x12: {  	[tilespmem:s21+$0x13980] =	vst v0  }
0x13: {  	[tilespmem:s21+$0x13990] =	vst v0  }
.Ltmp0:
0x14: {  	[tilespmem:s21+$0x139A0] =	vst v0;
	(pc) =	sbr.rel @p1 .LBB2_2-.Ltmp0, $4  }
0x15: {  	[tilespmem:s21+$0x139B0] =	vst v0  }
0x16: {  	[tilespmem:s21+$0x139C0] =	vst v0  }
0x17: {  	[tilespmem:s21+$0x139D0] =	vst v0  }
0x18: {  	[tilespmem:s21+$0x139E0] =	vst v0;
	s21 =	sshra.s32 s22, $0x2;
	s22 =	sadd.s32 $0x200, s22  }
0x19: {  	[tilespmem:s21+$0x139F0] =	vst v0  }
0x1a: {  	[tilespmem:s21+$0x13980] =	vst v0  }
0x1b: {  	[tilespmem:s21+$0x13990] =	vst v0  }
0x1c: {  	[tilespmem:s21+$0x139A0] =	vst v0  }
0x1d: {  	[tilespmem:s21+$0x139B0] =	vst v0  }
0x1e: {  	[tilespmem:s21+$0x139C0] =	vst v0  }
0x1f: {  	[tilespmem:s21+$0x139D0] =	vst v0  }
0x20: {  	[tilespmem:s21+$0x139E0] =	vst v0  }
0x21: {  	[spmem:s5] =	stream.linear.scatter [tilespmem:s16], [sflag:$0x1], $0x3400, $0x38;
	[tilespmem:$0x17980] =	vst v63  }
0x22: {  	_ =	swait.ge [sflag:s17], $0x3400  }
0x23: {  	[sflag:s17] =	ssyncset.done $0x0  }
0x24: {  	[sflag:s17] =	ssyncadd.s32 $0xFFFFCC00  }
0x25: {  	[spmem:s6] =	stream.linear.scatter [tilespmem:s16], [sflag:$0x1], $0x3400, $0x38;
	[tilespmem:$0x17980] =	vst v63  }
0x26: {  	_ =	swait.ge [sflag:s17], $0x3400  }
0x27: {  	[sflag:s17] =	ssyncset.done $0x0  }
0x28: {  	[sflag:s17] =	ssyncadd.s32 $0xFFFFCC00  }
0x29: {  	[spmem:s7] =	stream.linear.scatter [tilespmem:s16], [sflag:$0x1], $0x3400, $0x38;
	[tilespmem:$0x17980] =	vst v63  }
0x2a: {  	_ =	swait.ge [sflag:s17], $0x3400  }
0x2b: {  	[sflag:s17] =	ssyncset.done $0x0  }
0x2c: {  	[sflag:s17] =	ssyncadd.s32 $0xFFFFCC00  }
0x2d: {  	[spmem:s8] =	stream.linear.scatter [tilespmem:s16], [sflag:$0x1], $0x3400, $0x38;
	[tilespmem:$0x17980] =	vst v63  }
0x2e: {  	_ =	swait.ge [sflag:s17], $0x3400  }
0x2f: {  	[sflag:s17] =	ssyncset.done $0x0  }
0x30: {  	[sflag:s17] =	ssyncadd.s32 $0xFFFFCC00  }
0x31: {  	[spmem:s9] =	stream.linear.scatter [tilespmem:s16], [sflag:$0x1], $0x3400, $0x38;
	[tilespmem:$0x17980] =	vst v63  }
0x32: {  	_ =	swait.ge [sflag:s17], $0x3400  }
0x33: {  	[sflag:s17] =	ssyncset.done $0x0  }
0x34: {  	[sflag:s17] =	ssyncadd.s32 $0xFFFFCC00  }
0x35: {  	[spmem:s10] =	stream.linear.scatter [tilespmem:s16], [sflag:$0x1], $0x3400, $0x38;
	[tilespmem:$0x17980] =	vst v63  }
0x36: {  	_ =	swait.ge [sflag:s17], $0x3400  }
0x37: {  	[sflag:s17] =	ssyncset.done $0x0  }
0x38: {  	s21 =	simm.s32 @!p0 $0x13980;
	[sflag:s17] =	ssyncadd.s32 $0xFFFFCC00  }
0x39: {  	[spmem:s11] =	stream.linear.scatter @!p0 [tilespmem:s21], [sflag:$0x1], $0x800, $0x38;
	[tilespmem:$0x17980] =	vst v63  }
0x3a: {  	s21 =	simm.s32 @!p0 $0x1  }
0x3b: {  	_ =	swait.ge @!p0 [sflag:s21], $0x800  }
0x3c: {  	[sflag:s21] =	ssyncset.done @!p0 $0x0  }
0x3d: {  	s22 =	simm.s32 $0x200;
	[sflag:s21] =	ssyncadd.s32 @!p0 $0xFFFFF800;
	s21 =	simm.s32 $0x0  }
.LBB2_4:
0x3e: {  	p1 =	sne.s32 s22, $0xFE00;
	[tilespmem:s21+$0x139F0] =	vst v1  }
0x3f: {  	[tilespmem:s21+$0x13980] =	vst v1  }
0x40: {  	[tilespmem:s21+$0x13990] =	vst v1  }
.Ltmp1:
0x41: {  	[tilespmem:s21+$0x139A0] =	vst v1;
	(pc) =	sbr.rel @p1 .LBB2_4-.Ltmp1, $4  }
0x42: {  	[tilespmem:s21+$0x139B0] =	vst v1  }
0x43: {  	[tilespmem:s21+$0x139C0] =	vst v1  }
0x44: {  	[tilespmem:s21+$0x139D0] =	vst v1  }
0x45: {  	[tilespmem:s21+$0x139E0] =	vst v1;
	s21 =	sshra.s32 s22, $0x2;
	s22 =	sadd.s32 $0x200, s22  }
0x46: {  	[tilespmem:s21+$0x139F0] =	vst v1  }
0x47: {  	[tilespmem:s21+$0x13980] =	vst v1  }
0x48: {  	[tilespmem:s21+$0x13990] =	vst v1  }
0x49: {  	[tilespmem:s21+$0x139A0] =	vst v1;
	s22 =	simm.s32 $0x0  }
0x4a: {  	[tilespmem:s21+$0x139B0] =	vst v1;
	s23 =	sand.u32 $0x3C00, s22  }
0x4b: {  	[tilespmem:s21+$0x139C0] =	vst v1;
	s22 =	sand.u32 $0x380, s22;
	s23 =	sadd.s32 s12, s23  }
0x4c: {  	[tilespmem:s21+$0x139D0] =	vst v1;
	s22 =	sor.u32 s22, s23  }
0x4d: {  	[tilespmem:s21+$0x139E0] =	vst v1;
	s28 =	sshrl.u32 s22, $0x3  }
0x4e: {  	[bflag:$0x0] =	sbarrier.arrive $0xFFFF;
	s21 =	sadd.s32 s4, s28  }
0x4f: {  	[tilespmem:s18], [sflag:$0x1] =	stream.linear.gather [hbm4b:s21+s3], $0x80, $0x38;
	[tilespmem:$0x17980] =	vst v63  }
0x50: {  	_ =	swait.ge [sflag:s17], $0x80  }
0x51: {  	s29 =	simm.s32 $0x80;
	[sflag:s17] =	ssyncset.done $0x0  }
0x52: {  	s30 =	sand.u32 $0x3C00, s29;
	[sflag:s17] =	ssyncadd.s32 $0xFFFFFF80  }
0x53: {  	[spmem:s1] =	stream.indirect.scatter.add.f32 [tilespmem:s16], [sflag:$0x1], $0x80, s18, s19, $0xb8;
	[tilespmem:$0x17980] =	vst v63  }
0x54: {  	s31 =	sand.u32 $0x380, s29;
	s22 =	sadd.s32 s12, s30;
	_ =	swait.ge [sflag:s17], $0x4000  }
0x55: {  	s22 =	sor.u32 s31, s22;
	s21 =	simm.s32 $0x100;
	[sflag:s17] =	ssyncset.done $0x0  }
.LBB2_6:
0x56: {  	s22 =	sshrl.u32 s22, $0x3  }
0x57: {  	[sflag:s17] =	ssyncadd.s32 $0xFFFFC000;
	s23 =	smov.u32 s21;
	s24 =	sadd.s32 $0x80, s21  }
0x58: {  	p1 =	sne.s32 s21, $0x2780;
	s21 =	sadd.s32 s4, s22  }
0x59: {  	[tilespmem:s18], [sflag:$0x1] =	stream.linear.gather [hbm4b:s21+s3], $0x80, $0x38;
	[tilespmem:$0x17980] =	vst v63  }
0x5a: {  	_ =	swait.ge [sflag:s17], $0x80  }
.Ltmp2:
0x5b: {  	[sflag:s17] =	ssyncset.done $0x0;
	(pc) =	sbr.rel @p1 .LBB2_6-.Ltmp2, $4  }
0x5c: {  	s21 =	sand.u32 $0x3C00, s23;
	[sflag:s17] =	ssyncadd.s32 $0xFFFFFF80  }
0x5d: {  	[spmem:s1] =	stream.indirect.scatter.add.f32 [tilespmem:s16], [sflag:$0x1], $0x80, s18, s19, $0xb8;
	[tilespmem:$0x17980] =	vst v63  }
0x5e: {  	s22 =	sand.u32 $0x380, s23;
	s21 =	sadd.s32 s12, s21;
	_ =	swait.ge [sflag:s17], $0x4000  }
0x5f: {  	s22 =	sor.u32 s22, s21;
	s21 =	smov.u32 s24;
	[sflag:s17] =	ssyncset.done $0x0  }
0x60: {  	s21 =	sshrl.u32 s22, $0x3  }
0x61: {  	[sflag:s17] =	ssyncadd.s32 $0xFFFFC000;
	s21 =	sadd.s32 s4, s21  }
0x62: {  	[tilespmem:s18], [sflag:$0x1] =	stream.linear.gather [hbm4b:s21+s3], $0x80, $0x38;
	[tilespmem:$0x17980] =	vst v63  }
0x63: {  	_ =	swait.ge [sflag:s17], $0x80  }
0x64: {  	[sflag:s17] =	ssyncset.done $0x0  }
0x65: {  	[sflag:s17] =	ssyncadd.s32 $0xFFFFFF80  }
0x66: {  	[spmem:s1] =	stream.indirect.scatter.add.f32 [tilespmem:s16], [sflag:$0x1], $0x80, s18, s19, $0xb8;
	[tilespmem:$0x17980] =	vst v63  }
0x67: {  	_ =	swait.ge [sflag:s17], $0x4000  }
0x68: {  	[sflag:s17] =	ssyncset.done $0x0  }
0x69: {  	s30 =	sshll.u32 s2, $0x6;
	[sflag:s17] =	ssyncadd.s32 $0xFFFFC000  }
0x6a: {  	s31 =	sshrl.u32 s5, $0x3;
	s21 =	sor.u32 $0x1C01, s30;
	[bflag:$0x0] =	sbarrier.arrive $0xFFFF  }
0x6b: {  	[hbm:s13], [sflag:s21] =	dma.local [spmem:s31], $0x2700  }
0x6c: {  	_ =	swait.ge [sflag:s17], $0x2700  }
0x6d: {  	s20 =	sadd.s32 $0x1, s20;
	[sflag:s17] =	ssyncset.done $0x0  }
0x6e: {  	s22 =	sshrl.u32 @!p0 s11, $0x3;
	p1 =	sne.s32 s20, s15;
	[sflag:s17] =	ssyncadd.s32 $0xFFFFD900  }
0x6f: {  	[hbm:s14], [sflag:s21] =	dma.local @!p0 [spmem:s22], $0x100  }
.Ltmp3:
0x70: {  	_ = 	snop;
	(pc) =	sbr.rel @p1 .LBB2_1-.Ltmp3, $4  }
0x71: {  	s21 =	simm.s32 @!p0 $0x1  }
0x72: {  	_ =	swait.ge @!p0 [sflag:s21], $0x100  }
0x73: {  	[sflag:s21] =	ssyncset.done @!p0 $0x0  }
0x74: {  	[sflag:s21] =	ssyncadd.s32 @!p0 $0xFFFFFF00  }
0x75: {  	_ =	sfence.sel $0x180000  }
0x76: {  	[bflag:$0x0] =	sbarrier.arrive $0xFFFF  }
0x77: {  	p0 =	sne.s32 s2, $0x0;
	_ =	strace $0x9000004A  }
0x78: {  	s0 =	sadd.s32 @!p0 $0x100000, s0;
	[bflag:$0x2] =	sbarrier.arrive $0xFFFF  }
0x79: {  	[sflag:s0] =	ssyncadd.tile.s32 @!p0 $0x1;
	_ =	shalt  }
.Lfunc_end2:
_tile_overlayer_lowered:
.L_overlay_start_2:
0x7a: {  	(tag) =	ssettag $0x2  }
0x7b: {  	s0 =	rddreg [dreg:$0x0];
	s2 =	stileid.u32  }
0x7c: {  	s1 =	rddreg [dreg:$0x1];
	p0 =	sne.s32 s2, $0x0  }
0x7d: {  	s3 =	rddreg [dreg:$0x2];
	[bflag:$0x3] =	sbarrier.arrive $0xFFFF;
	s2 =	simm.s32 @!p0 $0x1C01  }
0x7e: {  	[timem:s3], [sflag:s2] =	dma.local @!p0 [hbm:s0], s1  }
0x7f: {  	s0 =	simm.s32 @!p0 $0x1  }
0x80: {  	_ =	swait.ge @!p0 [sflag:s0], s1  }
0x81: {  	s1 =	ssub.s32 @!p0 $0x0, s1;
	[sflag:s0] =	ssyncset.done @!p0 $0x0  }
0x82: {  	[sflag:s0] =	ssyncadd.s32 @!p0 s1  }
0x83: {  	[bflag:$0x3] =	sbarrier.arrive $0xFFFF  }
0x84: {  	_ =	shalt  }

</sc_bundles>
